<compile_context>
chip_gen: v7x
topology: tpu7x:2x2x1
jax: 0.10.2.dev20260603
libtpu: 0.0.44.dev20260713+nightly
codegen_flags: <defaults>
</compile_context>

<pallas_src>
import functools

import jax
import jax.numpy as jnp
from jax import lax
from jax.experimental import pallas as pl
from jax.experimental.pallas import tpu as pltpu
from jax.experimental.pallas import tpu_sc as plsc

DIM = 128


@functools.lru_cache(maxsize=None)
def _make_gather(B: int, D: int):
    info = plsc.get_sparse_core_info()
    NC, NS = info.num_cores, info.num_subcores
    NW = NC * NS
    assert B % NW == 0
    b_per_w = B // NW
    chunk = 320
    nbuf = 3
    nchunks = b_per_w // chunk
    assert b_per_w % chunk == 0 and chunk % 8 == 0

    mesh = plsc.VectorSubcoreMesh(core_axis_name="c", subcore_axis_name="s")

    @functools.partial(
        pl.kernel,
        mesh=mesh,
        out_type=jax.ShapeDtypeStruct((B, D), jnp.float32),
        scratch_types=[
            pltpu.VMEM((b_per_w,), jnp.int32),
            pltpu.VMEM((3, chunk, D), jnp.float32),
            pltpu.SemaphoreType.DMA,
            pltpu.SemaphoreType.DMA,
            pltpu.SemaphoreType.DMA,
            pltpu.SemaphoreType.DMA,
            pltpu.SemaphoreType.DMA,
            pltpu.SemaphoreType.DMA,
        ],
    )
    def k(idx_hbm, table_hbm, out_hbm, idx_v, rows_v, g0, g1, g2, w0, w1, w2):
        wid = lax.axis_index("s") * NC + lax.axis_index("c")
        base = wid * b_per_w
        gsem = (g0, g1, g2)
        wsem = (w0, w1, w2)
        pltpu.sync_copy(idx_hbm.at[pl.ds(base, b_per_w)], idx_v)

        def gather(g, b):
            return pltpu.async_copy(
                table_hbm.at[idx_v.at[pl.ds(g * chunk, chunk)]],
                rows_v.at[b],
                gsem[b],
            )

        gathers = [None] * nbuf
        writes = [None] * nbuf
        gathers[0] = gather(0, 0)
        gathers[1] = gather(1, 1)
        for g in range(nchunks):
            b = g % nbuf
            bn = (g + 2) % nbuf
            gathers[b].wait()
            if writes[bn] is not None:
                writes[bn].wait()
            if g + 2 < nchunks:
                gathers[bn] = gather(g + 2, bn)
            writes[b] = pltpu.async_copy(
                rows_v.at[b], out_hbm.at[pl.ds(base + g * chunk, chunk)], wsem[b]
            )
        writes[(nchunks - 1) % nbuf].wait()

    return k


def kernel(x, table):
    nb, ns = x.shape
    B = nb * ns
    idx = x.T.reshape(B).astype(jnp.int32)
    out = _make_gather(B, DIM)(idx, table)
    return out.reshape(ns, nb, DIM).transpose(1, 0, 2)

# --- scband reference (transcript-rebuilt; emitter-appended) ---
"""Pipeline reference for scband-bertstyle-model-21345987461606 (READ-ONLY COPY).

The authoritative reference and input builder live on the scoring server;
editing this copy changes nothing except your own understanding.
"""

import jax, jax.numpy as jnp
import numpy as np

VOCAB = 30522
DIM = 128

def setup_inputs(seed: int = 0) -> dict:
    key = jax.random.key(seed)
    k1, k2 = jax.random.split(key)
    x = jax.random.randint(k1, (4096, 50), 0, VOCAB, dtype=jnp.int64) if jax.config.read('jax_enable_x64') else jax.random.randint(k1, (4096, 50), 0, VOCAB, dtype=jnp.int32)
    table = jax.random.normal(k2, (VOCAB, DIM), dtype=jnp.float32)
    return {"x": x, "table": table}

def reference(x, table):
    # Faithful translation of BERTStyleModel.forward: only the embedding lookup is performed.
    # (The TransformerEncoder is constructed in __init__ but never used in forward.)
    return jnp.take(table, x, axis=0)

if __name__ == "__main__":
    import jax
    _d = setup_inputs()
    print(jax.jit(kernel)(*tuple(_d.values())))

</pallas_src>

<mosaic_0001>
#map = affine_map<(d0, d1) -> (0)>
#map1 = affine_map<(d0, d1) -> (0, 0)>
module attributes {stable_mosaic.version = 14 : i64} {
  func.func @k(%arg0: i32, %arg1: i32, %arg2: memref<204800xi32, #tpu.memory_space<hbm>>, %arg3: memref<30522x128xf32, #tpu.memory_space<hbm>>, %arg4: memref<204800x128xf32, #tpu.memory_space<hbm>>, %arg5: memref<6400xi32, #tpu.memory_space<vmem>>, %arg6: memref<3x320x128xf32, #tpu.memory_space<vmem>>, %arg7: memref<!tpu.dma_semaphore, #tpu.memory_space<semaphore_mem>>, %arg8: memref<!tpu.dma_semaphore, #tpu.memory_space<semaphore_mem>>, %arg9: memref<!tpu.dma_semaphore, #tpu.memory_space<semaphore_mem>>, %arg10: memref<!tpu.dma_semaphore, #tpu.memory_space<semaphore_mem>>, %arg11: memref<!tpu.dma_semaphore, #tpu.memory_space<semaphore_mem>>, %arg12: memref<!tpu.dma_semaphore, #tpu.memory_space<semaphore_mem>>) attributes {dimension_semantics = [#tpu.dimension_semantics<core_parallel>, #tpu.dimension_semantics<subcore_parallel>], iteration_bounds = array<i64: 2, 16>, scalar_prefetch = 0 : i64, scratch_operands = 8 : i64, tpu.core_type = #tpu.core_type<sc_vector_subcore>, window_params = [{transform_indices = #map}, {transform_indices = #map1}, {transform_indices = #map1}]} {
    %mul3A = arith.constant 2 : i32
    %mul3A_0 = arith.muli %arg1, %mul3A : i32
    %add3A = arith.addi %mul3A_0, %arg0 : i32
    %mul3A_1 = arith.constant 6400 : i32
    %mul3A_2 = arith.muli %add3A, %mul3A_1 : i32
    "tpu.region"() ({
      %run_scoped3A = tpu.sem_alloc : memref<!tpu.dma_semaphore, #tpu.memory_space<semaphore_mem>>
      %dma_start3A_961 = tpu.memref_slice %arg2[%mul3A_2] : memref<204800xi32, #tpu.memory_space<hbm>> -> memref<6400xi32, #tpu.memory_space<hbm>>
      %dma_start3A_962 = tpu.memref_slice %arg2[%mul3A_2] : memref<204800xi32, #tpu.memory_space<hbm>> -> memref<6400xi32, #tpu.memory_space<hbm>>
      tpu.enqueue_dma source(%dma_start3A_962 : memref<6400xi32, #tpu.memory_space<hbm>>) target(%arg5 : memref<6400xi32, #tpu.memory_space<vmem>>) target_semaphore(%run_scoped3A : memref<!tpu.dma_semaphore, #tpu.memory_space<semaphore_mem>>)
      %dma_wait3A_963 = tpu.memref_slice %arg2[%mul3A_2] : memref<204800xi32, #tpu.memory_space<hbm>> -> memref<6400xi32, #tpu.memory_space<hbm>>
      %dma_wait3A_964 = tpu.memref_slice %arg2[%mul3A_2] : memref<204800xi32, #tpu.memory_space<hbm>> -> memref<6400xi32, #tpu.memory_space<hbm>>
      tpu.wait_dma2 semaphore(%run_scoped3A : memref<!tpu.dma_semaphore, #tpu.memory_space<semaphore_mem>>) src(%dma_wait3A_964 : memref<6400xi32, #tpu.memory_space<hbm>>) dst(%arg5 : memref<6400xi32, #tpu.memory_space<vmem>>)
      tpu.yield
    }) : () -> ()
    %dma_start3A = arith.constant 0 : i32
    %dma_start3A_3 = arith.constant 0 : i32
    %dma_start3A_4 = arith.constant 0 : i32
    %dma_start3A_5 = tpu.memref_slice %arg6[%dma_start3A, %dma_start3A_3, %dma_start3A_4] : memref<3x320x128xf32, #tpu.memory_space<vmem>> -> memref<1x320x128xf32, #tpu.memory_space<vmem>>
    %dma_start3A_6 = tpu.memref_squeeze %dma_start3A_5 : memref<1x320x128xf32, #tpu.memory_space<vmem>> -> memref<320x128xf32, #tpu.memory_space<vmem>>
    %dma_start3A_7 = arith.constant 0 : i32
    %dma_start3A_8 = tpu.memref_slice %arg5[%dma_start3A_7] : memref<6400xi32, #tpu.memory_space<vmem>> -> memref<320xi32, #tpu.memory_space<vmem>>
    %dma_start3A_9 = arith.constant 0 : i32
    %dma_start3A_10 = arith.constant 0 : i32
    %dma_start3A_11 = tpu.memref_slice %arg3[%dma_start3A_9, %dma_start3A_10] : memref<30522x128xf32, #tpu.memory_space<hbm>> -> memref<30522x128xf32, #tpu.memory_space<hbm>>
    tpu.enqueue_indirect_dma source(%dma_start3A_11 : memref<30522x128xf32, #tpu.memory_space<hbm>>) target(%dma_start3A_6 : memref<320x128xf32, #tpu.memory_space<vmem>>) offsets(%dma_start3A_8 : memref<320xi32, #tpu.memory_space<vmem>>) semaphore(%arg7 : memref<!tpu.dma_semaphore, #tpu.memory_space<semaphore_mem>>)
    %dma_start3A_12 = arith.constant 1 : i32
    %dma_start3A_13 = arith.constant 0 : i32
    %dma_start3A_14 = arith.constant 0 : i32
    %dma_start3A_15 = tpu.memref_slice %arg6[%dma_start3A_12, %dma_start3A_13, %dma_start3A_14] : memref<3x320x128xf32, #tpu.memory_space<vmem>> -> memref<1x320x128xf32, #tpu.memory_space<vmem>>
    %dma_start3A_16 = tpu.memref_squeeze %dma_start3A_15 : memref<1x320x128xf32, #tpu.memory_space<vmem>> -> memref<320x128xf32, #tpu.memory_space<vmem>>
    %dma_start3A_17 = arith.constant 320 : i32
    %dma_start3A_18 = tpu.memref_slice %arg5[%dma_start3A_17] : memref<6400xi32, #tpu.memory_space<vmem>> -> memref<320xi32, #tpu.memory_space<vmem>>
    %dma_start3A_19 = arith.constant 0 : i32
    %dma_start3A_20 = arith.constant 0 : i32
    %dma_start3A_21 = tpu.memref_slice %arg3[%dma_start3A_19, %dma_start3A_20] : memref<30522x128xf32, #tpu.memory_space<hbm>> -> memref<30522x128xf32, #tpu.memory_space<hbm>>
    tpu.enqueue_indirect_dma source(%dma_start3A_21 : memref<30522x128xf32, #tpu.memory_space<hbm>>) target(%dma_start3A_16 : memref<320x128xf32, #tpu.memory_space<vmem>>) offsets(%dma_start3A_18 : memref<320xi32, #tpu.memory_space<vmem>>) semaphore(%arg8 : memref<!tpu.dma_semaphore, #tpu.memory_space<semaphore_mem>>)
    %dma_wait3A = arith.constant 0 : i32
    %dma_wait3A_22 = arith.constant 0 : i32
    %dma_wait3A_23 = arith.constant 0 : i32
    %dma_wait3A_24 = tpu.memref_slice %arg6[%dma_wait3A, %dma_wait3A_22, %dma_wait3A_23] : memref<3x320x128xf32, #tpu.memory_space<vmem>> -> memref<1x320x128xf32, #tpu.memory_space<vmem>>
    %dma_wait3A_25 = tpu.memref_squeeze %dma_wait3A_24 : memref<1x320x128xf32, #tpu.memory_space<vmem>> -> memref<320x128xf32, #tpu.memory_space<vmem>>
    %dma_wait3A_26 = arith.constant 0 : i32
    %dma_wait3A_27 = tpu.memref_slice %arg5[%dma_wait3A_26] : memref<6400xi32, #tpu.memory_space<vmem>> -> memref<320xi32, #tpu.memory_space<vmem>>
    %dma_wait3A_28 = arith.constant 0 : i32
    %dma_wait3A_29 = arith.constant 0 : i32
    %dma_wait3A_30 = tpu.memref_slice %arg3[%dma_wait3A_28, %dma_wait3A_29] : memref<30522x128xf32, #tpu.memory_space<hbm>> -> memref<30522x128xf32, #tpu.memory_space<hbm>>
    tpu.wait_indirect_dma semaphore(%arg7 : memref<!tpu.dma_semaphore, #tpu.memory_space<semaphore_mem>>) src(%dma_wait3A_30 : memref<30522x128xf32, #tpu.memory_space<hbm>>) dst(%dma_wait3A_25 : memref<320x128xf32, #tpu.memory_space<vmem>>)
    %dma_start3A_31 = arith.constant 2 : i32
    %dma_start3A_32 = arith.constant 0 : i32
    %dma_start3A_33 = arith.constant 0 : i32
    %dma_start3A_34 = tpu.memref_slice %arg6[%dma_start3A_31, %dma_start3A_32, %dma_start3A_33] : memref<3x320x128xf32, #tpu.memory_space<vmem>> -> memref<1x320x128xf32, #tpu.memory_space<vmem>>
    %dma_start3A_35 = tpu.memref_squeeze %dma_start3A_34 : memref<1x320x128xf32, #tpu.memory_space<vmem>> -> memref<320x128xf32, #tpu.memory_space<vmem>>
    %dma_start3A_36 = arith.constant 640 : i32
    %dma_start3A_37 = tpu.memref_slice %arg5[%dma_start3A_36] : memref<6400xi32, #tpu.memory_space<vmem>> -> memref<320xi32, #tpu.memory_space<vmem>>
    %dma_start3A_38 = arith.constant 0 : i32
    %dma_start3A_39 = arith.constant 0 : i32
    %dma_start3A_40 = tpu.memref_slice %arg3[%dma_start3A_38, %dma_start3A_39] : memref<30522x128xf32, #tpu.memory_space<hbm>> -> memref<30522x128xf32, #tpu.memory_space<hbm>>
    tpu.enqueue_indirect_dma source(%dma_start3A_40 : memref<30522x128xf32, #tpu.memory_space<hbm>>) target(%dma_start3A_35 : memref<320x128xf32, #tpu.memory_space<vmem>>) offsets(%dma_start3A_37 : memref<320xi32, #tpu.memory_space<vmem>>) semaphore(%arg9 : memref<!tpu.dma_semaphore, #tpu.memory_space<semaphore_mem>>)
    %add3A_41 = arith.constant 0 : i32
    %add3A_42 = arith.addi %mul3A_2, %add3A_41 : i32
    %dma_start3A_43 = arith.constant 0 : i32
    %dma_start3A_44 = arith.constant 0 : i32
    %dma_start3A_45 = arith.constant 0 : i32
    %dma_start3A_46 = tpu.memref_slice %arg6[%dma_start3A_43, %dma_start3A_44, %dma_start3A_45] : memref<3x320x128xf32, #tpu.memory_space<vmem>> -> memref<1x320x128xf32, #tpu.memory_space<vmem>>
    %dma_start3A_47 = tpu.memref_squeeze %dma_start3A_46 : memref<1x320x128xf32, #tpu.memory_space<vmem>> -> memref<320x128xf32, #tpu.memory_space<vmem>>
    %dma_start3A_48 = arith.constant 0 : i32
    %dma_start3A_49 = tpu.memref_slice %arg4[%add3A_42, %dma_start3A_48] : memref<204800x128xf32, #tpu.memory_space<hbm>> -> memref<320x128xf32, #tpu.memory_space<hbm>>
    %dma_start3A_50 = arith.constant 0 : i32
    %dma_start3A_51 = tpu.memref_slice %arg4[%add3A_42, %dma_start3A_50] : memref<204800x128xf32, #tpu.memory_space<hbm>> -> memref<320x128xf32, #tpu.memory_space<hbm>>
    %dma_start3A_52 = arith.constant 0 : i32
    %dma_start3A_53 = arith.constant 0 : i32
    %dma_start3A_54 = tpu.memref_slice %arg6[%dma_start3A_43, %dma_start3A_52, %dma_start3A_53] : memref<3x320x128xf32, #tpu.memory_space<vmem>> -> memref<1x320x128xf32, #tpu.memory_space<vmem>>
    %dma_start3A_55 = tpu.memref_squeeze %dma_start3A_54 : memref<1x320x128xf32, #tpu.memory_space<vmem>> -> memref<320x128xf32, #tpu.memory_space<vmem>>
    tpu.enqueue_dma source(%dma_start3A_55 : memref<320x128xf32, #tpu.memory_space<vmem>>) target(%dma_start3A_51 : memref<320x128xf32, #tpu.memory_space<hbm>>) target_semaphore(%arg10 : memref<!tpu.dma_semaphore, #tpu.memory_space<semaphore_mem>>)
    %dma_wait3A_56 = arith.constant 1 : i32
    %dma_wait3A_57 = arith.constant 0 : i32
    %dma_wait3A_58 = arith.constant 0 : i32
    %dma_wait3A_59 = tpu.memref_slice %arg6[%dma_wait3A_56, %dma_wait3A_57, %dma_wait3A_58] : memref<3x320x128xf32, #tpu.memory_space<vmem>> -> memref<1x320x128xf32, #tpu.memory_space<vmem>>
    %dma_wait3A_60 = tpu.memref_squeeze %dma_wait3A_59 : memref<1x320x128xf32, #tpu.memory_space<vmem>> -> memref<320x128xf32, #tpu.memory_space<vmem>>
    %dma_wait3A_61 = arith.constant 320 : i32
    %dma_wait3A_62 = tpu.memref_slice %arg5[%dma_wait3A_61] : memref<6400xi32, #tpu.memory_space<vmem>> -> memref<320xi32, #tpu.memory_space<vmem>>
    %dma_wait3A_63 = arith.constant 0 : i32
    %dma_wait3A_64 = arith.constant 0 : i32
    %dma_wait3A_65 = tpu.memref_slice %arg3[%dma_wait3A_63, %dma_wait3A_64] : memref<30522x128xf32, #tpu.memory_space<hbm>> -> memref<30522x128xf32, #tpu.memory_space<hbm>>
    tpu.wait_indirect_dma semaphore(%arg8 : memref<!tpu.dma_semaphore, #tpu.memory_space<semaphore_mem>>) src(%dma_wait3A_65 : memref<30522x128xf32, #tpu.memory_space<hbm>>) dst(%dma_wait3A_60 : memref<320x128xf32, #tpu.memory_space<vmem>>)
    %dma_wait3A_66 = arith.constant 0 : i32
    %dma_wait3A_67 = arith.constant 0 : i32
    %dma_wait3A_68 = arith.constant 0 : i32
    %dma_wait3A_69 = tpu.memref_slice %arg6[%dma_wait3A_66, %dma_wait3A_67, %dma_wait3A_68] : memref<3x320x128xf32, #tpu.memory_space<vmem>> -> memref<1x320x128xf32, #tpu.memory_space<vmem>>
    %dma_wait3A_70 = tpu.memref_squeeze %dma_wait3A_69 : memref<1x320x128xf32, #tpu.memory_space<vmem>> -> memref<320x128xf32, #tpu.memory_space<vmem>>
    %dma_wait3A_71 = arith.constant 0 : i32
    %dma_wait3A_72 = tpu.memref_slice %arg4[%add3A_42, %dma_wait3A_71] : memref<204800x128xf32, #tpu.memory_space<hbm>> -> memref<320x128xf32, #tpu.memory_space<hbm>>
    %dma_wait3A_73 = arith.constant 0 : i32
    %dma_wait3A_74 = tpu.memref_slice %arg4[%add3A_42, %dma_wait3A_73] : memref<204800x128xf32, #tpu.memory_space<hbm>> -> memref<320x128xf32, #tpu.memory_space<hbm>>
    %dma_wait3A_75 = arith.constant 0 : i32
    %dma_wait3A_76 = arith.constant 0 : i32
    %dma_wait3A_77 = tpu.memref_slice %arg6[%dma_wait3A_66, %dma_wait3A_75, %dma_wait3A_76] : memref<3x320x128xf32, #tpu.memory_space<vmem>> -> memref<1x320x128xf32, #tpu.memory_space<vmem>>
    %dma_wait3A_78 = tpu.memref_squeeze %dma_wait3A_77 : memref<1x320x128xf32, #tpu.memory_space<vmem>> -> memref<320x128xf32, #tpu.memory_space<vmem>>
    tpu.wait_dma2 semaphore(%arg10 : memref<!tpu.dma_semaphore, #tpu.memory_space<semaphore_mem>>) src(%dma_wait3A_78 : memref<320x128xf32, #tpu.memory_space<vmem>>) dst(%dma_wait3A_74 : memref<320x128xf32, #tpu.memory_space<hbm>>)
    %dma_start3A_79 = arith.constant 0 : i32
    %dma_start3A_80 = arith.constant 0 : i32
    %dma_start3A_81 = arith.constant 0 : i32
    %dma_start3A_82 = tpu.memref_slice %arg6[%dma_start3A_79, %dma_start3A_80, %dma_start3A_81] : memref<3x320x128xf32, #tpu.memory_space<vmem>> -> memref<1x320x128xf32, #tpu.memory_space<vmem>>
    %dma_start3A_83 = tpu.memref_squeeze %dma_start3A_82 : memref<1x320x128xf32, #tpu.memory_space<vmem>> -> memref<320x128xf32, #tpu.memory_space<vmem>>
    %dma_start3A_84 = arith.constant 960 : i32
    %dma_start3A_85 = tpu.memref_slice %arg5[%dma_start3A_84] : memref<6400xi32, #tpu.memory_space<vmem>> -> memref<320xi32, #tpu.memory_space<vmem>>
    %dma_start3A_86 = arith.constant 0 : i32
    %dma_start3A_87 = arith.constant 0 : i32
    %dma_start3A_88 = tpu.memref_slice %arg3[%dma_start3A_86, %dma_start3A_87] : memref<30522x128xf32, #tpu.memory_space<hbm>> -> memref<30522x128xf32, #tpu.memory_space<hbm>>
    tpu.enqueue_indirect_dma source(%dma_start3A_88 : memref<30522x128xf32, #tpu.memory_space<hbm>>) target(%dma_start3A_83 : memref<320x128xf32, #tpu.memory_space<vmem>>) offsets(%dma_start3A_85 : memref<320xi32, #tpu.memory_space<vmem>>) semaphore(%arg7 : memref<!tpu.dma_semaphore, #tpu.memory_space<semaphore_mem>>)
    %add3A_89 = arith.constant 320 : i32
    %add3A_90 = arith.addi %mul3A_2, %add3A_89 : i32
    %dma_start3A_91 = arith.constant 1 : i32
    %dma_start3A_92 = arith.constant 0 : i32
    %dma_start3A_93 = arith.constant 0 : i32
    %dma_start3A_94 = tpu.memref_slice %arg6[%dma_start3A_91, %dma_start3A_92, %dma_start3A_93] : memref<3x320x128xf32, #tpu.memory_space<vmem>> -> memref<1x320x128xf32, #tpu.memory_space<vmem>>
    %dma_start3A_95 = tpu.memref_squeeze %dma_start3A_94 : memref<1x320x128xf32, #tpu.memory_space<vmem>> -> memref<320x128xf32, #tpu.memory_space<vmem>>
    %dma_start3A_96 = arith.constant 0 : i32
    %dma_start3A_97 = tpu.memref_slice %arg4[%add3A_90, %dma_start3A_96] : memref<204800x128xf32, #tpu.memory_space<hbm>> -> memref<320x128xf32, #tpu.memory_space<hbm>>
    %dma_start3A_98 = arith.constant 0 : i32
    %dma_start3A_99 = tpu.memref_slice %arg4[%add3A_90, %dma_start3A_98] : memref<204800x128xf32, #tpu.memory_space<hbm>> -> memref<320x128xf32, #tpu.memory_space<hbm>>
    %dma_start3A_100 = arith.constant 0 : i32
    %dma_start3A_101 = arith.constant 0 : i32
    %dma_start3A_102 = tpu.memref_slice %arg6[%dma_start3A_91, %dma_start3A_100, %dma_start3A_101] : memref<3x320x128xf32, #tpu.memory_space<vmem>> -> memref<1x320x128xf32, #tpu.memory_space<vmem>>
    %dma_start3A_103 = tpu.memref_squeeze %dma_start3A_102 : memref<1x320x128xf32, #tpu.memory_space<vmem>> -> memref<320x128xf32, #tpu.memory_space<vmem>>
    tpu.enqueue_dma source(%dma_start3A_103 : memref<320x128xf32, #tpu.memory_space<vmem>>) target(%dma_start3A_99 : memref<320x128xf32, #tpu.memory_space<hbm>>) target_semaphore(%arg11 : memref<!tpu.dma_semaphore, #tpu.memory_space<semaphore_mem>>)
    %dma_wait3A_104 = arith.constant 2 : i32
    %dma_wait3A_105 = arith.constant 0 : i32
    %dma_wait3A_106 = arith.constant 0 : i32
    %dma_wait3A_107 = tpu.memref_slice %arg6[%dma_wait3A_104, %dma_wait3A_105, %dma_wait3A_106] : memref<3x320x128xf32, #tpu.memory_space<vmem>> -> memref<1x320x128xf32, #tpu.memory_space<vmem>>
    %dma_wait3A_108 = tpu.memref_squeeze %dma_wait3A_107 : memref<1x320x128xf32, #tpu.memory_space<vmem>> -> memref<320x128xf32, #tpu.memory_space<vmem>>
    %dma_wait3A_109 = arith.constant 640 : i32
    %dma_wait3A_110 = tpu.memref_slice %arg5[%dma_wait3A_109] : memref<6400xi32, #tpu.memory_space<vmem>> -> memref<320xi32, #tpu.memory_space<vmem>>
    %dma_wait3A_111 = arith.constant 0 : i32
    %dma_wait3A_112 = arith.constant 0 : i32
    %dma_wait3A_113 = tpu.memref_slice %arg3[%dma_wait3A_111, %dma_wait3A_112] : memref<30522x128xf32, #tpu.memory_space<hbm>> -> memref<30522x128xf32, #tpu.memory_space<hbm>>
    tpu.wait_indirect_dma semaphore(%arg9 : memref<!tpu.dma_semaphore, #tpu.memory_space<semaphore_mem>>) src(%dma_wait3A_113 : memref<30522x128xf32, #tpu.memory_space<hbm>>) dst(%dma_wait3A_108 : memref<320x128xf32, #tpu.memory_space<vmem>>)
    %dma_wait3A_114 = arith.constant 1 : i32
    %dma_wait3A_115 = arith.constant 0 : i32
    %dma_wait3A_116 = arith.constant 0 : i32
    %dma_wait3A_117 = tpu.memref_slice %arg6[%dma_wait3A_114, %dma_wait3A_115, %dma_wait3A_116] : memref<3x320x128xf32, #tpu.memory_space<vmem>> -> memref<1x320x128xf32, #tpu.memory_space<vmem>>
    %dma_wait3A_118 = tpu.memref_squeeze %dma_wait3A_117 : memref<1x320x128xf32, #tpu.memory_space<vmem>> -> memref<320x128xf32, #tpu.memory_space<vmem>>
    %dma_wait3A_119 = arith.constant 0 : i32
    %dma_wait3A_120 = tpu.memref_slice %arg4[%add3A_90, %dma_wait3A_119] : memref<204800x128xf32, #tpu.memory_space<hbm>> -> memref<320x128xf32, #tpu.memory_space<hbm>>
    %dma_wait3A_121 = arith.constant 0 : i32
    %dma_wait3A_122 = tpu.memref_slice %arg4[%add3A_90, %dma_wait3A_121] : memref<204800x128xf32, #tpu.memory_space<hbm>> -> memref<320x128xf32, #tpu.memory_space<hbm>>
    %dma_wait3A_123 = arith.constant 0 : i32
    %dma_wait3A_124 = arith.constant 0 : i32
    %dma_wait3A_125 = tpu.memref_slice %arg6[%dma_wait3A_114, %dma_wait3A_123, %dma_wait3A_124] : memref<3x320x128xf32, #tpu.memory_space<vmem>> -> memref<1x320x128xf32, #tpu.memory_space<vmem>>
    %dma_wait3A_126 = tpu.memref_squeeze %dma_wait3A_125 : memref<1x320x128xf32, #tpu.memory_space<vmem>> -> memref<320x128xf32, #tpu.memory_space<vmem>>
    tpu.wait_dma2 semaphore(%arg11 : memref<!tpu.dma_semaphore, #tpu.memory_space<semaphore_mem>>) src(%dma_wait3A_126 : memref<320x128xf32, #tpu.memory_space<vmem>>) dst(%dma_wait3A_122 : memref<320x128xf32, #tpu.memory_space<hbm>>)
    %dma_start3A_127 = arith.constant 1 : i32
    %dma_start3A_128 = arith.constant 0 : i32
    %dma_start3A_129 = arith.constant 0 : i32
    %dma_start3A_130 = tpu.memref_slice %arg6[%dma_start3A_127, %dma_start3A_128, %dma_start3A_129] : memref<3x320x128xf32, #tpu.memory_space<vmem>> -> memref<1x320x128xf32, #tpu.memory_space<vmem>>
    %dma_start3A_131 = tpu.memref_squeeze %dma_start3A_130 : memref<1x320x128xf32, #tpu.memory_space<vmem>> -> memref<320x128xf32, #tpu.memory_space<vmem>>
    %dma_start3A_132 = arith.constant 1280 : i32
    %dma_start3A_133 = tpu.memref_slice %arg5[%dma_start3A_132] : memref<6400xi32, #tpu.memory_space<vmem>> -> memref<320xi32, #tpu.memory_space<vmem>>
    %dma_start3A_134 = arith.constant 0 : i32
    %dma_start3A_135 = arith.constant 0 : i32
    %dma_start3A_136 = tpu.memref_slice %arg3[%dma_start3A_134, %dma_start3A_135] : memref<30522x128xf32, #tpu.memory_space<hbm>> -> memref<30522x128xf32, #tpu.memory_space<hbm>>
    tpu.enqueue_indirect_dma source(%dma_start3A_136 : memref<30522x128xf32, #tpu.memory_space<hbm>>) target(%dma_start3A_131 : memref<320x128xf32, #tpu.memory_space<vmem>>) offsets(%dma_start3A_133 : memref<320xi32, #tpu.memory_space<vmem>>) semaphore(%arg8 : memref<!tpu.dma_semaphore, #tpu.memory_space<semaphore_mem>>)
    %add3A_137 = arith.constant 640 : i32
    %add3A_138 = arith.addi %mul3A_2, %add3A_137 : i32
    %dma_start3A_139 = arith.constant 2 : i32
    %dma_start3A_140 = arith.constant 0 : i32
    %dma_start3A_141 = arith.constant 0 : i32
    %dma_start3A_142 = tpu.memref_slice %arg6[%dma_start3A_139, %dma_start3A_140, %dma_start3A_141] : memref<3x320x128xf32, #tpu.memory_space<vmem>> -> memref<1x320x128xf32, #tpu.memory_space<vmem>>
    %dma_start3A_143 = tpu.memref_squeeze %dma_start3A_142 : memref<1x320x128xf32, #tpu.memory_space<vmem>> -> memref<320x128xf32, #tpu.memory_space<vmem>>
    %dma_start3A_144 = arith.constant 0 : i32
    %dma_start3A_145 = tpu.memref_slice %arg4[%add3A_138, %dma_start3A_144] : memref<204800x128xf32, #tpu.memory_space<hbm>> -> memref<320x128xf32, #tpu.memory_space<hbm>>
    %dma_start3A_146 = arith.constant 0 : i32
    %dma_start3A_147 = tpu.memref_slice %arg4[%add3A_138, %dma_start3A_146] : memref<204800x128xf32, #tpu.memory_space<hbm>> -> memref<320x128xf32, #tpu.memory_space<hbm>>
    %dma_start3A_148 = arith.constant 0 : i32
    %dma_start3A_149 = arith.constant 0 : i32
    %dma_start3A_150 = tpu.memref_slice %arg6[%dma_start3A_139, %dma_start3A_148, %dma_start3A_149] : memref<3x320x128xf32, #tpu.memory_space<vmem>> -> memref<1x320x128xf32, #tpu.memory_space<vmem>>
    %dma_start3A_151 = tpu.memref_squeeze %dma_start3A_150 : memref<1x320x128xf32, #tpu.memory_space<vmem>> -> memref<320x128xf32, #tpu.memory_space<vmem>>
    tpu.enqueue_dma source(%dma_start3A_151 : memref<320x128xf32, #tpu.memory_space<vmem>>) target(%dma_start3A_147 : memref<320x128xf32, #tpu.memory_space<hbm>>) target_semaphore(%arg12 : memref<!tpu.dma_semaphore, #tpu.memory_space<semaphore_mem>>)
    %dma_wait3A_152 = arith.constant 0 : i32
    %dma_wait3A_153 = arith.constant 0 : i32
    %dma_wait3A_154 = arith.constant 0 : i32
    %dma_wait3A_155 = tpu.memref_slice %arg6[%dma_wait3A_152, %dma_wait3A_153, %dma_wait3A_154] : memref<3x320x128xf32, #tpu.memory_space<vmem>> -> memref<1x320x128xf32, #tpu.memory_space<vmem>>
    %dma_wait3A_156 = tpu.memref_squeeze %dma_wait3A_155 : memref<1x320x128xf32, #tpu.memory_space<vmem>> -> memref<320x128xf32, #tpu.memory_space<vmem>>
    %dma_wait3A_157 = arith.constant 960 : i32
    %dma_wait3A_158 = tpu.memref_slice %arg5[%dma_wait3A_157] : memref<6400xi32, #tpu.memory_space<vmem>> -> memref<320xi32, #tpu.memory_space<vmem>>
    %dma_wait3A_159 = arith.constant 0 : i32
    %dma_wait3A_160 = arith.constant 0 : i32
    %dma_wait3A_161 = tpu.memref_slice %arg3[%dma_wait3A_159, %dma_wait3A_160] : memref<30522x128xf32, #tpu.memory_space<hbm>> -> memref<30522x128xf32, #tpu.memory_space<hbm>>
    tpu.wait_indirect_dma semaphore(%arg7 : memref<!tpu.dma_semaphore, #tpu.memory_space<semaphore_mem>>) src(%dma_wait3A_161 : memref<30522x128xf32, #tpu.memory_space<hbm>>) dst(%dma_wait3A_156 : memref<320x128xf32, #tpu.memory_space<vmem>>)
    %dma_wait3A_162 = arith.constant 2 : i32
    %dma_wait3A_163 = arith.constant 0 : i32
    %dma_wait3A_164 = arith.constant 0 : i32
    %dma_wait3A_165 = tpu.memref_slice %arg6[%dma_wait3A_162, %dma_wait3A_163, %dma_wait3A_164] : memref<3x320x128xf32, #tpu.memory_space<vmem>> -> memref<1x320x128xf32, #tpu.memory_space<vmem>>
    %dma_wait3A_166 = tpu.memref_squeeze %dma_wait3A_165 : memref<1x320x128xf32, #tpu.memory_space<vmem>> -> memref<320x128xf32, #tpu.memory_space<vmem>>
    %dma_wait3A_167 = arith.constant 0 : i32
    %dma_wait3A_168 = tpu.memref_slice %arg4[%add3A_138, %dma_wait3A_167] : memref<204800x128xf32, #tpu.memory_space<hbm>> -> memref<320x128xf32, #tpu.memory_space<hbm>>
    %dma_wait3A_169 = arith.constant 0 : i32
    %dma_wait3A_170 = tpu.memref_slice %arg4[%add3A_138, %dma_wait3A_169] : memref<204800x128xf32, #tpu.memory_space<hbm>> -> memref<320x128xf32, #tpu.memory_space<hbm>>
    %dma_wait3A_171 = arith.constant 0 : i32
    %dma_wait3A_172 = arith.constant 0 : i32
    %dma_wait3A_173 = tpu.memref_slice %arg6[%dma_wait3A_162, %dma_wait3A_171, %dma_wait3A_172] : memref<3x320x128xf32, #tpu.memory_space<vmem>> -> memref<1x320x128xf32, #tpu.memory_space<vmem>>
    %dma_wait3A_174 = tpu.memref_squeeze %dma_wait3A_173 : memref<1x320x128xf32, #tpu.memory_space<vmem>> -> memref<320x128xf32, #tpu.memory_space<vmem>>
    tpu.wait_dma2 semaphore(%arg12 : memref<!tpu.dma_semaphore, #tpu.memory_space<semaphore_mem>>) src(%dma_wait3A_174 : memref<320x128xf32, #tpu.memory_space<vmem>>) dst(%dma_wait3A_170 : memref<320x128xf32, #tpu.memory_space<hbm>>)
    %dma_start3A_175 = arith.constant 2 : i32
    %dma_start3A_176 = arith.constant 0 : i32
    %dma_start3A_177 = arith.constant 0 : i32
    %dma_start3A_178 = tpu.memref_slice %arg6[%dma_start3A_175, %dma_start3A_176, %dma_start3A_177] : memref<3x320x128xf32, #tpu.memory_space<vmem>> -> memref<1x320x128xf32, #tpu.memory_space<vmem>>
    %dma_start3A_179 = tpu.memref_squeeze %dma_start3A_178 : memref<1x320x128xf32, #tpu.memory_space<vmem>> -> memref<320x128xf32, #tpu.memory_space<vmem>>
    %dma_start3A_180 = arith.constant 1600 : i32
    %dma_start3A_181 = tpu.memref_slice %arg5[%dma_start3A_180] : memref<6400xi32, #tpu.memory_space<vmem>> -> memref<320xi32, #tpu.memory_space<vmem>>
    %dma_start3A_182 = arith.constant 0 : i32
    %dma_start3A_183 = arith.constant 0 : i32
    %dma_start3A_184 = tpu.memref_slice %arg3[%dma_start3A_182, %dma_start3A_183] : memref<30522x128xf32, #tpu.memory_space<hbm>> -> memref<30522x128xf32, #tpu.memory_space<hbm>>
    tpu.enqueue_indirect_dma source(%dma_start3A_184 : memref<30522x128xf32, #tpu.memory_space<hbm>>) target(%dma_start3A_179 : memref<320x128xf32, #tpu.memory_space<vmem>>) offsets(%dma_start3A_181 : memref<320xi32, #tpu.memory_space<vmem>>) semaphore(%arg9 : memref<!tpu.dma_semaphore, #tpu.memory_space<semaphore_mem>>)
    %add3A_185 = arith.constant 960 : i32
    %add3A_186 = arith.addi %mul3A_2, %add3A_185 : i32
    %dma_start3A_187 = arith.constant 0 : i32
    %dma_start3A_188 = arith.constant 0 : i32
    %dma_start3A_189 = arith.constant 0 : i32
    %dma_start3A_190 = tpu.memref_slice %arg6[%dma_start3A_187, %dma_start3A_188, %dma_start3A_189] : memref<3x320x128xf32, #tpu.memory_space<vmem>> -> memref<1x320x128xf32, #tpu.memory_space<vmem>>
    %dma_start3A_191 = tpu.memref_squeeze %dma_start3A_190 : memref<1x320x128xf32, #tpu.memory_space<vmem>> -> memref<320x128xf32, #tpu.memory_space<vmem>>
    %dma_start3A_192 = arith.constant 0 : i32
    %dma_start3A_193 = tpu.memref_slice %arg4[%add3A_186, %dma_start3A_192] : memref<204800x128xf32, #tpu.memory_space<hbm>> -> memref<320x128xf32, #tpu.memory_space<hbm>>
    %dma_start3A_194 = arith.constant 0 : i32
    %dma_start3A_195 = tpu.memref_slice %arg4[%add3A_186, %dma_start3A_194] : memref<204800x128xf32, #tpu.memory_space<hbm>> -> memref<320x128xf32, #tpu.memory_space<hbm>>
    %dma_start3A_196 = arith.constant 0 : i32
    %dma_start3A_197 = arith.constant 0 : i32
    %dma_start3A_198 = tpu.memref_slice %arg6[%dma_start3A_187, %dma_start3A_196, %dma_start3A_197] : memref<3x320x128xf32, #tpu.memory_space<vmem>> -> memref<1x320x128xf32, #tpu.memory_space<vmem>>
    %dma_start3A_199 = tpu.memref_squeeze %dma_start3A_198 : memref<1x320x128xf32, #tpu.memory_space<vmem>> -> memref<320x128xf32, #tpu.memory_space<vmem>>
    tpu.enqueue_dma source(%dma_start3A_199 : memref<320x128xf32, #tpu.memory_space<vmem>>) target(%dma_start3A_195 : memref<320x128xf32, #tpu.memory_space<hbm>>) target_semaphore(%arg10 : memref<!tpu.dma_semaphore, #tpu.memory_space<semaphore_mem>>)
    %dma_wait3A_200 = arith.constant 1 : i32
    %dma_wait3A_201 = arith.constant 0 : i32
    %dma_wait3A_202 = arith.constant 0 : i32
    %dma_wait3A_203 = tpu.memref_slice %arg6[%dma_wait3A_200, %dma_wait3A_201, %dma_wait3A_202] : memref<3x320x128xf32, #tpu.memory_space<vmem>> -> memref<1x320x128xf32, #tpu.memory_space<vmem>>
    %dma_wait3A_204 = tpu.memref_squeeze %dma_wait3A_203 : memref<1x320x128xf32, #tpu.memory_space<vmem>> -> memref<320x128xf32, #tpu.memory_space<vmem>>
    %dma_wait3A_205 = arith.constant 1280 : i32
    %dma_wait3A_206 = tpu.memref_slice %arg5[%dma_wait3A_205] : memref<6400xi32, #tpu.memory_space<vmem>> -> memref<320xi32, #tpu.memory_space<vmem>>
    %dma_wait3A_207 = arith.constant 0 : i32
    %dma_wait3A_208 = arith.constant 0 : i32
    %dma_wait3A_209 = tpu.memref_slice %arg3[%dma_wait3A_207, %dma_wait3A_208] : memref<30522x128xf32, #tpu.memory_space<hbm>> -> memref<30522x128xf32, #tpu.memory_space<hbm>>
    tpu.wait_indirect_dma semaphore(%arg8 : memref<!tpu.dma_semaphore, #tpu.memory_space<semaphore_mem>>) src(%dma_wait3A_209 : memref<30522x128xf32, #tpu.memory_space<hbm>>) dst(%dma_wait3A_204 : memref<320x128xf32, #tpu.memory_space<vmem>>)
    %dma_wait3A_210 = arith.constant 0 : i32
    %dma_wait3A_211 = arith.constant 0 : i32
    %dma_wait3A_212 = arith.constant 0 : i32
    %dma_wait3A_213 = tpu.memref_slice %arg6[%dma_wait3A_210, %dma_wait3A_211, %dma_wait3A_212] : memref<3x320x128xf32, #tpu.memory_space<vmem>> -> memref<1x320x128xf32, #tpu.memory_space<vmem>>
    %dma_wait3A_214 = tpu.memref_squeeze %dma_wait3A_213 : memref<1x320x128xf32, #tpu.memory_space<vmem>> -> memref<320x128xf32, #tpu.memory_space<vmem>>
    %dma_wait3A_215 = arith.constant 0 : i32
    %dma_wait3A_216 = tpu.memref_slice %arg4[%add3A_186, %dma_wait3A_215] : memref<204800x128xf32, #tpu.memory_space<hbm>> -> memref<320x128xf32, #tpu.memory_space<hbm>>
    %dma_wait3A_217 = arith.constant 0 : i32
    %dma_wait3A_218 = tpu.memref_slice %arg4[%add3A_186, %dma_wait3A_217] : memref<204800x128xf32, #tpu.memory_space<hbm>> -> memref<320x128xf32, #tpu.memory_space<hbm>>
    %dma_wait3A_219 = arith.constant 0 : i32
    %dma_wait3A_220 = arith.constant 0 : i32
    %dma_wait3A_221 = tpu.memref_slice %arg6[%dma_wait3A_210, %dma_wait3A_219, %dma_wait3A_220] : memref<3x320x128xf32, #tpu.memory_space<vmem>> -> memref<1x320x128xf32, #tpu.memory_space<vmem>>
    %dma_wait3A_222 = tpu.memref_squeeze %dma_wait3A_221 : memref<1x320x128xf32, #tpu.memory_space<vmem>> -> memref<320x128xf32, #tpu.memory_space<vmem>>
    tpu.wait_dma2 semaphore(%arg10 : memref<!tpu.dma_semaphore, #tpu.memory_space<semaphore_mem>>) src(%dma_wait3A_222 : memref<320x128xf32, #tpu.memory_space<vmem>>) dst(%dma_wait3A_218 : memref<320x128xf32, #tpu.memory_space<hbm>>)
    %dma_start3A_223 = arith.constant 0 : i32
    %dma_start3A_224 = arith.constant 0 : i32
    %dma_start3A_225 = arith.constant 0 : i32
    %dma_start3A_226 = tpu.memref_slice %arg6[%dma_start3A_223, %dma_start3A_224, %dma_start3A_225] : memref<3x320x128xf32, #tpu.memory_space<vmem>> -> memref<1x320x128xf32, #tpu.memory_space<vmem>>
    %dma_start3A_227 = tpu.memref_squeeze %dma_start3A_226 : memref<1x320x128xf32, #tpu.memory_space<vmem>> -> memref<320x128xf32, #tpu.memory_space<vmem>>
    %dma_start3A_228 = arith.constant 1920 : i32
    %dma_start3A_229 = tpu.memref_slice %arg5[%dma_start3A_228] : memref<6400xi32, #tpu.memory_space<vmem>> -> memref<320xi32, #tpu.memory_space<vmem>>
    %dma_start3A_230 = arith.constant 0 : i32
    %dma_start3A_231 = arith.constant 0 : i32
    %dma_start3A_232 = tpu.memref_slice %arg3[%dma_start3A_230, %dma_start3A_231] : memref<30522x128xf32, #tpu.memory_space<hbm>> -> memref<30522x128xf32, #tpu.memory_space<hbm>>
    tpu.enqueue_indirect_dma source(%dma_start3A_232 : memref<30522x128xf32, #tpu.memory_space<hbm>>) target(%dma_start3A_227 : memref<320x128xf32, #tpu.memory_space<vmem>>) offsets(%dma_start3A_229 : memref<320xi32, #tpu.memory_space<vmem>>) semaphore(%arg7 : memref<!tpu.dma_semaphore, #tpu.memory_space<semaphore_mem>>)
    %add3A_233 = arith.constant 1280 : i32
    %add3A_234 = arith.addi %mul3A_2, %add3A_233 : i32
    %dma_start3A_235 = arith.constant 1 : i32
    %dma_start3A_236 = arith.constant 0 : i32
    %dma_start3A_237 = arith.constant 0 : i32
    %dma_start3A_238 = tpu.memref_slice %arg6[%dma_start3A_235, %dma_start3A_236, %dma_start3A_237] : memref<3x320x128xf32, #tpu.memory_space<vmem>> -> memref<1x320x128xf32, #tpu.memory_space<vmem>>
    %dma_start3A_239 = tpu.memref_squeeze %dma_start3A_238 : memref<1x320x128xf32, #tpu.memory_space<vmem>> -> memref<320x128xf32, #tpu.memory_space<vmem>>
    %dma_start3A_240 = arith.constant 0 : i32
    %dma_start3A_241 = tpu.memref_slice %arg4[%add3A_234, %dma_start3A_240] : memref<204800x128xf32, #tpu.memory_space<hbm>> -> memref<320x128xf32, #tpu.memory_space<hbm>>
    %dma_start3A_242 = arith.constant 0 : i32
    %dma_start3A_243 = tpu.memref_slice %arg4[%add3A_234, %dma_start3A_242] : memref<204800x128xf32, #tpu.memory_space<hbm>> -> memref<320x128xf32, #tpu.memory_space<hbm>>
    %dma_start3A_244 = arith.constant 0 : i32
    %dma_start3A_245 = arith.constant 0 : i32
    %dma_start3A_246 = tpu.memref_slice %arg6[%dma_start3A_235, %dma_start3A_244, %dma_start3A_245] : memref<3x320x128xf32, #tpu.memory_space<vmem>> -> memref<1x320x128xf32, #tpu.memory_space<vmem>>
    %dma_start3A_247 = tpu.memref_squeeze %dma_start3A_246 : memref<1x320x128xf32, #tpu.memory_space<vmem>> -> memref<320x128xf32, #tpu.memory_space<vmem>>
    tpu.enqueue_dma source(%dma_start3A_247 : memref<320x128xf32, #tpu.memory_space<vmem>>) target(%dma_start3A_243 : memref<320x128xf32, #tpu.memory_space<hbm>>) target_semaphore(%arg11 : memref<!tpu.dma_semaphore, #tpu.memory_space<semaphore_mem>>)
    %dma_wait3A_248 = arith.constant 2 : i32
    %dma_wait3A_249 = arith.constant 0 : i32
    %dma_wait3A_250 = arith.constant 0 : i32
    %dma_wait3A_251 = tpu.memref_slice %arg6[%dma_wait3A_248, %dma_wait3A_249, %dma_wait3A_250] : memref<3x320x128xf32, #tpu.memory_space<vmem>> -> memref<1x320x128xf32, #tpu.memory_space<vmem>>
    %dma_wait3A_252 = tpu.memref_squeeze %dma_wait3A_251 : memref<1x320x128xf32, #tpu.memory_space<vmem>> -> memref<320x128xf32, #tpu.memory_space<vmem>>
    %dma_wait3A_253 = arith.constant 1600 : i32
    %dma_wait3A_254 = tpu.memref_slice %arg5[%dma_wait3A_253] : memref<6400xi32, #tpu.memory_space<vmem>> -> memref<320xi32, #tpu.memory_space<vmem>>
    %dma_wait3A_255 = arith.constant 0 : i32
    %dma_wait3A_256 = arith.constant 0 : i32
    %dma_wait3A_257 = tpu.memref_slice %arg3[%dma_wait3A_255, %dma_wait3A_256] : memref<30522x128xf32, #tpu.memory_space<hbm>> -> memref<30522x128xf32, #tpu.memory_space<hbm>>
    tpu.wait_indirect_dma semaphore(%arg9 : memref<!tpu.dma_semaphore, #tpu.memory_space<semaphore_mem>>) src(%dma_wait3A_257 : memref<30522x128xf32, #tpu.memory_space<hbm>>) dst(%dma_wait3A_252 : memref<320x128xf32, #tpu.memory_space<vmem>>)
    %dma_wait3A_258 = arith.constant 1 : i32
    %dma_wait3A_259 = arith.constant 0 : i32
    %dma_wait3A_260 = arith.constant 0 : i32
    %dma_wait3A_261 = tpu.memref_slice %arg6[%dma_wait3A_258, %dma_wait3A_259, %dma_wait3A_260] : memref<3x320x128xf32, #tpu.memory_space<vmem>> -> memref<1x320x128xf32, #tpu.memory_space<vmem>>
    %dma_wait3A_262 = tpu.memref_squeeze %dma_wait3A_261 : memref<1x320x128xf32, #tpu.memory_space<vmem>> -> memref<320x128xf32, #tpu.memory_space<vmem>>
    %dma_wait3A_263 = arith.constant 0 : i32
    %dma_wait3A_264 = tpu.memref_slice %arg4[%add3A_234, %dma_wait3A_263] : memref<204800x128xf32, #tpu.memory_space<hbm>> -> memref<320x128xf32, #tpu.memory_space<hbm>>
    %dma_wait3A_265 = arith.constant 0 : i32
    %dma_wait3A_266 = tpu.memref_slice %arg4[%add3A_234, %dma_wait3A_265] : memref<204800x128xf32, #tpu.memory_space<hbm>> -> memref<320x128xf32, #tpu.memory_space<hbm>>
    %dma_wait3A_267 = arith.constant 0 : i32
    %dma_wait3A_268 = arith.constant 0 : i32
    %dma_wait3A_269 = tpu.memref_slice %arg6[%dma_wait3A_258, %dma_wait3A_267, %dma_wait3A_268] : memref<3x320x128xf32, #tpu.memory_space<vmem>> -> memref<1x320x128xf32, #tpu.memory_space<vmem>>
    %dma_wait3A_270 = tpu.memref_squeeze %dma_wait3A_269 : memref<1x320x128xf32, #tpu.memory_space<vmem>> -> memref<320x128xf32, #tpu.memory_space<vmem>>
    tpu.wait_dma2 semaphore(%arg11 : memref<!tpu.dma_semaphore, #tpu.memory_space<semaphore_mem>>) src(%dma_wait3A_270 : memref<320x128xf32, #tpu.memory_space<vmem>>) dst(%dma_wait3A_266 : memref<320x128xf32, #tpu.memory_space<hbm>>)
    %dma_start3A_271 = arith.constant 1 : i32
    %dma_start3A_272 = arith.constant 0 : i32
    %dma_start3A_273 = arith.constant 0 : i32
    %dma_start3A_274 = tpu.memref_slice %arg6[%dma_start3A_271, %dma_start3A_272, %dma_start3A_273] : memref<3x320x128xf32, #tpu.memory_space<vmem>> -> memref<1x320x128xf32, #tpu.memory_space<vmem>>
    %dma_start3A_275 = tpu.memref_squeeze %dma_start3A_274 : memref<1x320x128xf32, #tpu.memory_space<vmem>> -> memref<320x128xf32, #tpu.memory_space<vmem>>
    %dma_start3A_276 = arith.constant 2240 : i32
    %dma_start3A_277 = tpu.memref_slice %arg5[%dma_start3A_276] : memref<6400xi32, #tpu.memory_space<vmem>> -> memref<320xi32, #tpu.memory_space<vmem>>
    %dma_start3A_278 = arith.constant 0 : i32
    %dma_start3A_279 = arith.constant 0 : i32
    %dma_start3A_280 = tpu.memref_slice %arg3[%dma_start3A_278, %dma_start3A_279] : memref<30522x128xf32, #tpu.memory_space<hbm>> -> memref<30522x128xf32, #tpu.memory_space<hbm>>
    tpu.enqueue_indirect_dma source(%dma_start3A_280 : memref<30522x128xf32, #tpu.memory_space<hbm>>) target(%dma_start3A_275 : memref<320x128xf32, #tpu.memory_space<vmem>>) offsets(%dma_start3A_277 : memref<320xi32, #tpu.memory_space<vmem>>) semaphore(%arg8 : memref<!tpu.dma_semaphore, #tpu.memory_space<semaphore_mem>>)
    %add3A_281 = arith.constant 1600 : i32
    %add3A_282 = arith.addi %mul3A_2, %add3A_281 : i32
    %dma_start3A_283 = arith.constant 2 : i32
    %dma_start3A_284 = arith.constant 0 : i32
    %dma_start3A_285 = arith.constant 0 : i32
    %dma_start3A_286 = tpu.memref_slice %arg6[%dma_start3A_283, %dma_start3A_284, %dma_start3A_285] : memref<3x320x128xf32, #tpu.memory_space<vmem>> -> memref<1x320x128xf32, #tpu.memory_space<vmem>>
    %dma_start3A_287 = tpu.memref_squeeze %dma_start3A_286 : memref<1x320x128xf32, #tpu.memory_space<vmem>> -> memref<320x128xf32, #tpu.memory_space<vmem>>
    %dma_start3A_288 = arith.constant 0 : i32
    %dma_start3A_289 = tpu.memref_slice %arg4[%add3A_282, %dma_start3A_288] : memref<204800x128xf32, #tpu.memory_space<hbm>> -> memref<320x128xf32, #tpu.memory_space<hbm>>
    %dma_start3A_290 = arith.constant 0 : i32
    %dma_start3A_291 = tpu.memref_slice %arg4[%add3A_282, %dma_start3A_290] : memref<204800x128xf32, #tpu.memory_space<hbm>> -> memref<320x128xf32, #tpu.memory_space<hbm>>
    %dma_start3A_292 = arith.constant 0 : i32
    %dma_start3A_293 = arith.constant 0 : i32
    %dma_start3A_294 = tpu.memref_slice %arg6[%dma_start3A_283, %dma_start3A_292, %dma_start3A_293] : memref<3x320x128xf32, #tpu.memory_space<vmem>> -> memref<1x320x128xf32, #tpu.memory_space<vmem>>
    %dma_start3A_295 = tpu.memref_squeeze %dma_start3A_294 : memref<1x320x128xf32, #tpu.memory_space<vmem>> -> memref<320x128xf32, #tpu.memory_space<vmem>>
    tpu.enqueue_dma source(%dma_start3A_295 : memref<320x128xf32, #tpu.memory_space<vmem>>) target(%dma_start3A_291 : memref<320x128xf32, #tpu.memory_space<hbm>>) target_semaphore(%arg12 : memref<!tpu.dma_semaphore, #tpu.memory_space<semaphore_mem>>)
    %dma_wait3A_296 = arith.constant 0 : i32
    %dma_wait3A_297 = arith.constant 0 : i32
    %dma_wait3A_298 = arith.constant 0 : i32
    %dma_wait3A_299 = tpu.memref_slice %arg6[%dma_wait3A_296, %dma_wait3A_297, %dma_wait3A_298] : memref<3x320x128xf32, #tpu.memory_space<vmem>> -> memref<1x320x128xf32, #tpu.memory_space<vmem>>
    %dma_wait3A_300 = tpu.memref_squeeze %dma_wait3A_299 : memref<1x320x128xf32, #tpu.memory_space<vmem>> -> memref<320x128xf32, #tpu.memory_space<vmem>>
    %dma_wait3A_301 = arith.constant 1920 : i32
    %dma_wait3A_302 = tpu.memref_slice %arg5[%dma_wait3A_301] : memref<6400xi32, #tpu.memory_space<vmem>> -> memref<320xi32, #tpu.memory_space<vmem>>
    %dma_wait3A_303 = arith.constant 0 : i32
    %dma_wait3A_304 = arith.constant 0 : i32
    %dma_wait3A_305 = tpu.memref_slice %arg3[%dma_wait3A_303, %dma_wait3A_304] : memref<30522x128xf32, #tpu.memory_space<hbm>> -> memref<30522x128xf32, #tpu.memory_space<hbm>>
    tpu.wait_indirect_dma semaphore(%arg7 : memref<!tpu.dma_semaphore, #tpu.memory_space<semaphore_mem>>) src(%dma_wait3A_305 : memref<30522x128xf32, #tpu.memory_space<hbm>>) dst(%dma_wait3A_300 : memref<320x128xf32, #tpu.memory_space<vmem>>)
    %dma_wait3A_306 = arith.constant 2 : i32
    %dma_wait3A_307 = arith.constant 0 : i32
    %dma_wait3A_308 = arith.constant 0 : i32
    %dma_wait3A_309 = tpu.memref_slice %arg6[%dma_wait3A_306, %dma_wait3A_307, %dma_wait3A_308] : memref<3x320x128xf32, #tpu.memory_space<vmem>> -> memref<1x320x128xf32, #tpu.memory_space<vmem>>
    %dma_wait3A_310 = tpu.memref_squeeze %dma_wait3A_309 : memref<1x320x128xf32, #tpu.memory_space<vmem>> -> memref<320x128xf32, #tpu.memory_space<vmem>>
    %dma_wait3A_311 = arith.constant 0 : i32
    %dma_wait3A_312 = tpu.memref_slice %arg4[%add3A_282, %dma_wait3A_311] : memref<204800x128xf32, #tpu.memory_space<hbm>> -> memref<320x128xf32, #tpu.memory_space<hbm>>
    %dma_wait3A_313 = arith.constant 0 : i32
    %dma_wait3A_314 = tpu.memref_slice %arg4[%add3A_282, %dma_wait3A_313] : memref<204800x128xf32, #tpu.memory_space<hbm>> -> memref<320x128xf32, #tpu.memory_space<hbm>>
    %dma_wait3A_315 = arith.constant 0 : i32
    %dma_wait3A_316 = arith.constant 0 : i32
    %dma_wait3A_317 = tpu.memref_slice %arg6[%dma_wait3A_306, %dma_wait3A_315, %dma_wait3A_316] : memref<3x320x128xf32, #tpu.memory_space<vmem>> -> memref<1x320x128xf32, #tpu.memory_space<vmem>>
    %dma_wait3A_318 = tpu.memref_squeeze %dma_wait3A_317 : memref<1x320x128xf32, #tpu.memory_space<vmem>> -> memref<320x128xf32, #tpu.memory_space<vmem>>
    tpu.wait_dma2 semaphore(%arg12 : memref<!tpu.dma_semaphore, #tpu.memory_space<semaphore_mem>>) src(%dma_wait3A_318 : memref<320x128xf32, #tpu.memory_space<vmem>>) dst(%dma_wait3A_314 : memref<320x128xf32, #tpu.memory_space<hbm>>)
    %dma_start3A_319 = arith.constant 2 : i32
    %dma_start3A_320 = arith.constant 0 : i32
    %dma_start3A_321 = arith.constant 0 : i32
    %dma_start3A_322 = tpu.memref_slice %arg6[%dma_start3A_319, %dma_start3A_320, %dma_start3A_321] : memref<3x320x128xf32, #tpu.memory_space<vmem>> -> memref<1x320x128xf32, #tpu.memory_space<vmem>>
    %dma_start3A_323 = tpu.memref_squeeze %dma_start3A_322 : memref<1x320x128xf32, #tpu.memory_space<vmem>> -> memref<320x128xf32, #tpu.memory_space<vmem>>
    %dma_start3A_324 = arith.constant 2560 : i32
    %dma_start3A_325 = tpu.memref_slice %arg5[%dma_start3A_324] : memref<6400xi32, #tpu.memory_space<vmem>> -> memref<320xi32, #tpu.memory_space<vmem>>
    %dma_start3A_326 = arith.constant 0 : i32
    %dma_start3A_327 = arith.constant 0 : i32
    %dma_start3A_328 = tpu.memref_slice %arg3[%dma_start3A_326, %dma_start3A_327] : memref<30522x128xf32, #tpu.memory_space<hbm>> -> memref<30522x128xf32, #tpu.memory_space<hbm>>
    tpu.enqueue_indirect_dma source(%dma_start3A_328 : memref<30522x128xf32, #tpu.memory_space<hbm>>) target(%dma_start3A_323 : memref<320x128xf32, #tpu.memory_space<vmem>>) offsets(%dma_start3A_325 : memref<320xi32, #tpu.memory_space<vmem>>) semaphore(%arg9 : memref<!tpu.dma_semaphore, #tpu.memory_space<semaphore_mem>>)
    %add3A_329 = arith.constant 1920 : i32
    %add3A_330 = arith.addi %mul3A_2, %add3A_329 : i32
    %dma_start3A_331 = arith.constant 0 : i32
    %dma_start3A_332 = arith.constant 0 : i32
    %dma_start3A_333 = arith.constant 0 : i32
    %dma_start3A_334 = tpu.memref_slice %arg6[%dma_start3A_331, %dma_start3A_332, %dma_start3A_333] : memref<3x320x128xf32, #tpu.memory_space<vmem>> -> memref<1x320x128xf32, #tpu.memory_space<vmem>>
    %dma_start3A_335 = tpu.memref_squeeze %dma_start3A_334 : memref<1x320x128xf32, #tpu.memory_space<vmem>> -> memref<320x128xf32, #tpu.memory_space<vmem>>
    %dma_start3A_336 = arith.constant 0 : i32
    %dma_start3A_337 = tpu.memref_slice %arg4[%add3A_330, %dma_start3A_336] : memref<204800x128xf32, #tpu.memory_space<hbm>> -> memref<320x128xf32, #tpu.memory_space<hbm>>
    %dma_start3A_338 = arith.constant 0 : i32
    %dma_start3A_339 = tpu.memref_slice %arg4[%add3A_330, %dma_start3A_338] : memref<204800x128xf32, #tpu.memory_space<hbm>> -> memref<320x128xf32, #tpu.memory_space<hbm>>
    %dma_start3A_340 = arith.constant 0 : i32
    %dma_start3A_341 = arith.constant 0 : i32
    %dma_start3A_342 = tpu.memref_slice %arg6[%dma_start3A_331, %dma_start3A_340, %dma_start3A_341] : memref<3x320x128xf32, #tpu.memory_space<vmem>> -> memref<1x320x128xf32, #tpu.memory_space<vmem>>
    %dma_start3A_343 = tpu.memref_squeeze %dma_start3A_342 : memref<1x320x128xf32, #tpu.memory_space<vmem>> -> memref<320x128xf32, #tpu.memory_space<vmem>>
    tpu.enqueue_dma source(%dma_start3A_343 : memref<320x128xf32, #tpu.memory_space<vmem>>) target(%dma_start3A_339 : memref<320x128xf32, #tpu.memory_space<hbm>>) target_semaphore(%arg10 : memref<!tpu.dma_semaphore, #tpu.memory_space<semaphore_mem>>)
    %dma_wait3A_344 = arith.constant 1 : i32
    %dma_wait3A_345 = arith.constant 0 : i32
    %dma_wait3A_346 = arith.constant 0 : i32
    %dma_wait3A_347 = tpu.memref_slice %arg6[%dma_wait3A_344, %dma_wait3A_345, %dma_wait3A_346] : memref<3x320x128xf32, #tpu.memory_space<vmem>> -> memref<1x320x128xf32, #tpu.memory_space<vmem>>
    %dma_wait3A_348 = tpu.memref_squeeze %dma_wait3A_347 : memref<1x320x128xf32, #tpu.memory_space<vmem>> -> memref<320x128xf32, #tpu.memory_space<vmem>>
    %dma_wait3A_349 = arith.constant 2240 : i32
    %dma_wait3A_350 = tpu.memref_slice %arg5[%dma_wait3A_349] : memref<6400xi32, #tpu.memory_space<vmem>> -> memref<320xi32, #tpu.memory_space<vmem>>
    %dma_wait3A_351 = arith.constant 0 : i32
    %dma_wait3A_352 = arith.constant 0 : i32
    %dma_wait3A_353 = tpu.memref_slice %arg3[%dma_wait3A_351, %dma_wait3A_352] : memref<30522x128xf32, #tpu.memory_space<hbm>> -> memref<30522x128xf32, #tpu.memory_space<hbm>>
    tpu.wait_indirect_dma semaphore(%arg8 : memref<!tpu.dma_semaphore, #tpu.memory_space<semaphore_mem>>) src(%dma_wait3A_353 : memref<30522x128xf32, #tpu.memory_space<hbm>>) dst(%dma_wait3A_348 : memref<320x128xf32, #tpu.memory_space<vmem>>)
    %dma_wait3A_354 = arith.constant 0 : i32
    %dma_wait3A_355 = arith.constant 0 : i32
    %dma_wait3A_356 = arith.constant 0 : i32
    %dma_wait3A_357 = tpu.memref_slice %arg6[%dma_wait3A_354, %dma_wait3A_355, %dma_wait3A_356] : memref<3x320x128xf32, #tpu.memory_space<vmem>> -> memref<1x320x128xf32, #tpu.memory_space<vmem>>
    %dma_wait3A_358 = tpu.memref_squeeze %dma_wait3A_357 : memref<1x320x128xf32, #tpu.memory_space<vmem>> -> memref<320x128xf32, #tpu.memory_space<vmem>>
    %dma_wait3A_359 = arith.constant 0 : i32
    %dma_wait3A_360 = tpu.memref_slice %arg4[%add3A_330, %dma_wait3A_359] : memref<204800x128xf32, #tpu.memory_space<hbm>> -> memref<320x128xf32, #tpu.memory_space<hbm>>
    %dma_wait3A_361 = arith.constant 0 : i32
    %dma_wait3A_362 = tpu.memref_slice %arg4[%add3A_330, %dma_wait3A_361] : memref<204800x128xf32, #tpu.memory_space<hbm>> -> memref<320x128xf32, #tpu.memory_space<hbm>>
    %dma_wait3A_363 = arith.constant 0 : i32
    %dma_wait3A_364 = arith.constant 0 : i32
    %dma_wait3A_365 = tpu.memref_slice %arg6[%dma_wait3A_354, %dma_wait3A_363, %dma_wait3A_364] : memref<3x320x128xf32, #tpu.memory_space<vmem>> -> memref<1x320x128xf32, #tpu.memory_space<vmem>>
    %dma_wait3A_366 = tpu.memref_squeeze %dma_wait3A_365 : memref<1x320x128xf32, #tpu.memory_space<vmem>> -> memref<320x128xf32, #tpu.memory_space<vmem>>
    tpu.wait_dma2 semaphore(%arg10 : memref<!tpu.dma_semaphore, #tpu.memory_space<semaphore_mem>>) src(%dma_wait3A_366 : memref<320x128xf32, #tpu.memory_space<vmem>>) dst(%dma_wait3A_362 : memref<320x128xf32, #tpu.memory_space<hbm>>)
    %dma_start3A_367 = arith.constant 0 : i32
    %dma_start3A_368 = arith.constant 0 : i32
    %dma_start3A_369 = arith.constant 0 : i32
    %dma_start3A_370 = tpu.memref_slice %arg6[%dma_start3A_367, %dma_start3A_368, %dma_start3A_369] : memref<3x320x128xf32, #tpu.memory_space<vmem>> -> memref<1x320x128xf32, #tpu.memory_space<vmem>>
    %dma_start3A_371 = tpu.memref_squeeze %dma_start3A_370 : memref<1x320x128xf32, #tpu.memory_space<vmem>> -> memref<320x128xf32, #tpu.memory_space<vmem>>
    %dma_start3A_372 = arith.constant 2880 : i32
    %dma_start3A_373 = tpu.memref_slice %arg5[%dma_start3A_372] : memref<6400xi32, #tpu.memory_space<vmem>> -> memref<320xi32, #tpu.memory_space<vmem>>
    %dma_start3A_374 = arith.constant 0 : i32
    %dma_start3A_375 = arith.constant 0 : i32
    %dma_start3A_376 = tpu.memref_slice %arg3[%dma_start3A_374, %dma_start3A_375] : memref<30522x128xf32, #tpu.memory_space<hbm>> -> memref<30522x128xf32, #tpu.memory_space<hbm>>
    tpu.enqueue_indirect_dma source(%dma_start3A_376 : memref<30522x128xf32, #tpu.memory_space<hbm>>) target(%dma_start3A_371 : memref<320x128xf32, #tpu.memory_space<vmem>>) offsets(%dma_start3A_373 : memref<320xi32, #tpu.memory_space<vmem>>) semaphore(%arg7 : memref<!tpu.dma_semaphore, #tpu.memory_space<semaphore_mem>>)
    %add3A_377 = arith.constant 2240 : i32
    %add3A_378 = arith.addi %mul3A_2, %add3A_377 : i32
    %dma_start3A_379 = arith.constant 1 : i32
    %dma_start3A_380 = arith.constant 0 : i32
    %dma_start3A_381 = arith.constant 0 : i32
    %dma_start3A_382 = tpu.memref_slice %arg6[%dma_start3A_379, %dma_start3A_380, %dma_start3A_381] : memref<3x320x128xf32, #tpu.memory_space<vmem>> -> memref<1x320x128xf32, #tpu.memory_space<vmem>>
    %dma_start3A_383 = tpu.memref_squeeze %dma_start3A_382 : memref<1x320x128xf32, #tpu.memory_space<vmem>> -> memref<320x128xf32, #tpu.memory_space<vmem>>
    %dma_start3A_384 = arith.constant 0 : i32
    %dma_start3A_385 = tpu.memref_slice %arg4[%add3A_378, %dma_start3A_384] : memref<204800x128xf32, #tpu.memory_space<hbm>> -> memref<320x128xf32, #tpu.memory_space<hbm>>
    %dma_start3A_386 = arith.constant 0 : i32
    %dma_start3A_387 = tpu.memref_slice %arg4[%add3A_378, %dma_start3A_386] : memref<204800x128xf32, #tpu.memory_space<hbm>> -> memref<320x128xf32, #tpu.memory_space<hbm>>
    %dma_start3A_388 = arith.constant 0 : i32
    %dma_start3A_389 = arith.constant 0 : i32
    %dma_start3A_390 = tpu.memref_slice %arg6[%dma_start3A_379, %dma_start3A_388, %dma_start3A_389] : memref<3x320x128xf32, #tpu.memory_space<vmem>> -> memref<1x320x128xf32, #tpu.memory_space<vmem>>
    %dma_start3A_391 = tpu.memref_squeeze %dma_start3A_390 : memref<1x320x128xf32, #tpu.memory_space<vmem>> -> memref<320x128xf32, #tpu.memory_space<vmem>>
    tpu.enqueue_dma source(%dma_start3A_391 : memref<320x128xf32, #tpu.memory_space<vmem>>) target(%dma_start3A_387 : memref<320x128xf32, #tpu.memory_space<hbm>>) target_semaphore(%arg11 : memref<!tpu.dma_semaphore, #tpu.memory_space<semaphore_mem>>)
    %dma_wait3A_392 = arith.constant 2 : i32
    %dma_wait3A_393 = arith.constant 0 : i32
    %dma_wait3A_394 = arith.constant 0 : i32
    %dma_wait3A_395 = tpu.memref_slice %arg6[%dma_wait3A_392, %dma_wait3A_393, %dma_wait3A_394] : memref<3x320x128xf32, #tpu.memory_space<vmem>> -> memref<1x320x128xf32, #tpu.memory_space<vmem>>
    %dma_wait3A_396 = tpu.memref_squeeze %dma_wait3A_395 : memref<1x320x128xf32, #tpu.memory_space<vmem>> -> memref<320x128xf32, #tpu.memory_space<vmem>>
    %dma_wait3A_397 = arith.constant 2560 : i32
    %dma_wait3A_398 = tpu.memref_slice %arg5[%dma_wait3A_397] : memref<6400xi32, #tpu.memory_space<vmem>> -> memref<320xi32, #tpu.memory_space<vmem>>
    %dma_wait3A_399 = arith.constant 0 : i32
    %dma_wait3A_400 = arith.constant 0 : i32
    %dma_wait3A_401 = tpu.memref_slice %arg3[%dma_wait3A_399, %dma_wait3A_400] : memref<30522x128xf32, #tpu.memory_space<hbm>> -> memref<30522x128xf32, #tpu.memory_space<hbm>>
    tpu.wait_indirect_dma semaphore(%arg9 : memref<!tpu.dma_semaphore, #tpu.memory_space<semaphore_mem>>) src(%dma_wait3A_401 : memref<30522x128xf32, #tpu.memory_space<hbm>>) dst(%dma_wait3A_396 : memref<320x128xf32, #tpu.memory_space<vmem>>)
    %dma_wait3A_402 = arith.constant 1 : i32
    %dma_wait3A_403 = arith.constant 0 : i32
    %dma_wait3A_404 = arith.constant 0 : i32
    %dma_wait3A_405 = tpu.memref_slice %arg6[%dma_wait3A_402, %dma_wait3A_403, %dma_wait3A_404] : memref<3x320x128xf32, #tpu.memory_space<vmem>> -> memref<1x320x128xf32, #tpu.memory_space<vmem>>
    %dma_wait3A_406 = tpu.memref_squeeze %dma_wait3A_405 : memref<1x320x128xf32, #tpu.memory_space<vmem>> -> memref<320x128xf32, #tpu.memory_space<vmem>>
    %dma_wait3A_407 = arith.constant 0 : i32
    %dma_wait3A_408 = tpu.memref_slice %arg4[%add3A_378, %dma_wait3A_407] : memref<204800x128xf32, #tpu.memory_space<hbm>> -> memref<320x128xf32, #tpu.memory_space<hbm>>
    %dma_wait3A_409 = arith.constant 0 : i32
    %dma_wait3A_410 = tpu.memref_slice %arg4[%add3A_378, %dma_wait3A_409] : memref<204800x128xf32, #tpu.memory_space<hbm>> -> memref<320x128xf32, #tpu.memory_space<hbm>>
    %dma_wait3A_411 = arith.constant 0 : i32
    %dma_wait3A_412 = arith.constant 0 : i32
    %dma_wait3A_413 = tpu.memref_slice %arg6[%dma_wait3A_402, %dma_wait3A_411, %dma_wait3A_412] : memref<3x320x128xf32, #tpu.memory_space<vmem>> -> memref<1x320x128xf32, #tpu.memory_space<vmem>>
    %dma_wait3A_414 = tpu.memref_squeeze %dma_wait3A_413 : memref<1x320x128xf32, #tpu.memory_space<vmem>> -> memref<320x128xf32, #tpu.memory_space<vmem>>
    tpu.wait_dma2 semaphore(%arg11 : memref<!tpu.dma_semaphore, #tpu.memory_space<semaphore_mem>>) src(%dma_wait3A_414 : memref<320x128xf32, #tpu.memory_space<vmem>>) dst(%dma_wait3A_410 : memref<320x128xf32, #tpu.memory_space<hbm>>)
    %dma_start3A_415 = arith.constant 1 : i32
    %dma_start3A_416 = arith.constant 0 : i32
    %dma_start3A_417 = arith.constant 0 : i32
    %dma_start3A_418 = tpu.memref_slice %arg6[%dma_start3A_415, %dma_start3A_416, %dma_start3A_417] : memref<3x320x128xf32, #tpu.memory_space<vmem>> -> memref<1x320x128xf32, #tpu.memory_space<vmem>>
    %dma_start3A_419 = tpu.memref_squeeze %dma_start3A_418 : memref<1x320x128xf32, #tpu.memory_space<vmem>> -> memref<320x128xf32, #tpu.memory_space<vmem>>
    %dma_start3A_420 = arith.constant 3200 : i32
    %dma_start3A_421 = tpu.memref_slice %arg5[%dma_start3A_420] : memref<6400xi32, #tpu.memory_space<vmem>> -> memref<320xi32, #tpu.memory_space<vmem>>
    %dma_start3A_422 = arith.constant 0 : i32
    %dma_start3A_423 = arith.constant 0 : i32
    %dma_start3A_424 = tpu.memref_slice %arg3[%dma_start3A_422, %dma_start3A_423] : memref<30522x128xf32, #tpu.memory_space<hbm>> -> memref<30522x128xf32, #tpu.memory_space<hbm>>
    tpu.enqueue_indirect_dma source(%dma_start3A_424 : memref<30522x128xf32, #tpu.memory_space<hbm>>) target(%dma_start3A_419 : memref<320x128xf32, #tpu.memory_space<vmem>>) offsets(%dma_start3A_421 : memref<320xi32, #tpu.memory_space<vmem>>) semaphore(%arg8 : memref<!tpu.dma_semaphore, #tpu.memory_space<semaphore_mem>>)
    %add3A_425 = arith.constant 2560 : i32
    %add3A_426 = arith.addi %mul3A_2, %add3A_425 : i32
    %dma_start3A_427 = arith.constant 2 : i32
    %dma_start3A_428 = arith.constant 0 : i32
    %dma_start3A_429 = arith.constant 0 : i32
    %dma_start3A_430 = tpu.memref_slice %arg6[%dma_start3A_427, %dma_start3A_428, %dma_start3A_429] : memref<3x320x128xf32, #tpu.memory_space<vmem>> -> memref<1x320x128xf32, #tpu.memory_space<vmem>>
    %dma_start3A_431 = tpu.memref_squeeze %dma_start3A_430 : memref<1x320x128xf32, #tpu.memory_space<vmem>> -> memref<320x128xf32, #tpu.memory_space<vmem>>
    %dma_start3A_432 = arith.constant 0 : i32
    %dma_start3A_433 = tpu.memref_slice %arg4[%add3A_426, %dma_start3A_432] : memref<204800x128xf32, #tpu.memory_space<hbm>> -> memref<320x128xf32, #tpu.memory_space<hbm>>
    %dma_start3A_434 = arith.constant 0 : i32
    %dma_start3A_435 = tpu.memref_slice %arg4[%add3A_426, %dma_start3A_434] : memref<204800x128xf32, #tpu.memory_space<hbm>> -> memref<320x128xf32, #tpu.memory_space<hbm>>
    %dma_start3A_436 = arith.constant 0 : i32
    %dma_start3A_437 = arith.constant 0 : i32
    %dma_start3A_438 = tpu.memref_slice %arg6[%dma_start3A_427, %dma_start3A_436, %dma_start3A_437] : memref<3x320x128xf32, #tpu.memory_space<vmem>> -> memref<1x320x128xf32, #tpu.memory_space<vmem>>
    %dma_start3A_439 = tpu.memref_squeeze %dma_start3A_438 : memref<1x320x128xf32, #tpu.memory_space<vmem>> -> memref<320x128xf32, #tpu.memory_space<vmem>>
    tpu.enqueue_dma source(%dma_start3A_439 : memref<320x128xf32, #tpu.memory_space<vmem>>) target(%dma_start3A_435 : memref<320x128xf32, #tpu.memory_space<hbm>>) target_semaphore(%arg12 : memref<!tpu.dma_semaphore, #tpu.memory_space<semaphore_mem>>)
    %dma_wait3A_440 = arith.constant 0 : i32
    %dma_wait3A_441 = arith.constant 0 : i32
    %dma_wait3A_442 = arith.constant 0 : i32
    %dma_wait3A_443 = tpu.memref_slice %arg6[%dma_wait3A_440, %dma_wait3A_441, %dma_wait3A_442] : memref<3x320x128xf32, #tpu.memory_space<vmem>> -> memref<1x320x128xf32, #tpu.memory_space<vmem>>
    %dma_wait3A_444 = tpu.memref_squeeze %dma_wait3A_443 : memref<1x320x128xf32, #tpu.memory_space<vmem>> -> memref<320x128xf32, #tpu.memory_space<vmem>>
    %dma_wait3A_445 = arith.constant 2880 : i32
    %dma_wait3A_446 = tpu.memref_slice %arg5[%dma_wait3A_445] : memref<6400xi32, #tpu.memory_space<vmem>> -> memref<320xi32, #tpu.memory_space<vmem>>
    %dma_wait3A_447 = arith.constant 0 : i32
    %dma_wait3A_448 = arith.constant 0 : i32
    %dma_wait3A_449 = tpu.memref_slice %arg3[%dma_wait3A_447, %dma_wait3A_448] : memref<30522x128xf32, #tpu.memory_space<hbm>> -> memref<30522x128xf32, #tpu.memory_space<hbm>>
    tpu.wait_indirect_dma semaphore(%arg7 : memref<!tpu.dma_semaphore, #tpu.memory_space<semaphore_mem>>) src(%dma_wait3A_449 : memref<30522x128xf32, #tpu.memory_space<hbm>>) dst(%dma_wait3A_444 : memref<320x128xf32, #tpu.memory_space<vmem>>)
    %dma_wait3A_450 = arith.constant 2 : i32
    %dma_wait3A_451 = arith.constant 0 : i32
    %dma_wait3A_452 = arith.constant 0 : i32
    %dma_wait3A_453 = tpu.memref_slice %arg6[%dma_wait3A_450, %dma_wait3A_451, %dma_wait3A_452] : memref<3x320x128xf32, #tpu.memory_space<vmem>> -> memref<1x320x128xf32, #tpu.memory_space<vmem>>
    %dma_wait3A_454 = tpu.memref_squeeze %dma_wait3A_453 : memref<1x320x128xf32, #tpu.memory_space<vmem>> -> memref<320x128xf32, #tpu.memory_space<vmem>>
    %dma_wait3A_455 = arith.constant 0 : i32
    %dma_wait3A_456 = tpu.memref_slice %arg4[%add3A_426, %dma_wait3A_455] : memref<204800x128xf32, #tpu.memory_space<hbm>> -> memref<320x128xf32, #tpu.memory_space<hbm>>
    %dma_wait3A_457 = arith.constant 0 : i32
    %dma_wait3A_458 = tpu.memref_slice %arg4[%add3A_426, %dma_wait3A_457] : memref<204800x128xf32, #tpu.memory_space<hbm>> -> memref<320x128xf32, #tpu.memory_space<hbm>>
    %dma_wait3A_459 = arith.constant 0 : i32
    %dma_wait3A_460 = arith.constant 0 : i32
    %dma_wait3A_461 = tpu.memref_slice %arg6[%dma_wait3A_450, %dma_wait3A_459, %dma_wait3A_460] : memref<3x320x128xf32, #tpu.memory_space<vmem>> -> memref<1x320x128xf32, #tpu.memory_space<vmem>>
    %dma_wait3A_462 = tpu.memref_squeeze %dma_wait3A_461 : memref<1x320x128xf32, #tpu.memory_space<vmem>> -> memref<320x128xf32, #tpu.memory_space<vmem>>
    tpu.wait_dma2 semaphore(%arg12 : memref<!tpu.dma_semaphore, #tpu.memory_space<semaphore_mem>>) src(%dma_wait3A_462 : memref<320x128xf32, #tpu.memory_space<vmem>>) dst(%dma_wait3A_458 : memref<320x128xf32, #tpu.memory_space<hbm>>)
    %dma_start3A_463 = arith.constant 2 : i32
    %dma_start3A_464 = arith.constant 0 : i32
    %dma_start3A_465 = arith.constant 0 : i32
    %dma_start3A_466 = tpu.memref_slice %arg6[%dma_start3A_463, %dma_start3A_464, %dma_start3A_465] : memref<3x320x128xf32, #tpu.memory_space<vmem>> -> memref<1x320x128xf32, #tpu.memory_space<vmem>>
    %dma_start3A_467 = tpu.memref_squeeze %dma_start3A_466 : memref<1x320x128xf32, #tpu.memory_space<vmem>> -> memref<320x128xf32, #tpu.memory_space<vmem>>
    %dma_start3A_468 = arith.constant 3520 : i32
    %dma_start3A_469 = tpu.memref_slice %arg5[%dma_start3A_468] : memref<6400xi32, #tpu.memory_space<vmem>> -> memref<320xi32, #tpu.memory_space<vmem>>
    %dma_start3A_470 = arith.constant 0 : i32
    %dma_start3A_471 = arith.constant 0 : i32
    %dma_start3A_472 = tpu.memref_slice %arg3[%dma_start3A_470, %dma_start3A_471] : memref<30522x128xf32, #tpu.memory_space<hbm>> -> memref<30522x128xf32, #tpu.memory_space<hbm>>
    tpu.enqueue_indirect_dma source(%dma_start3A_472 : memref<30522x128xf32, #tpu.memory_space<hbm>>) target(%dma_start3A_467 : memref<320x128xf32, #tpu.memory_space<vmem>>) offsets(%dma_start3A_469 : memref<320xi32, #tpu.memory_space<vmem>>) semaphore(%arg9 : memref<!tpu.dma_semaphore, #tpu.memory_space<semaphore_mem>>)
    %add3A_473 = arith.constant 2880 : i32
    %add3A_474 = arith.addi %mul3A_2, %add3A_473 : i32
    %dma_start3A_475 = arith.constant 0 : i32
    %dma_start3A_476 = arith.constant 0 : i32
    %dma_start3A_477 = arith.constant 0 : i32
    %dma_start3A_478 = tpu.memref_slice %arg6[%dma_start3A_475, %dma_start3A_476, %dma_start3A_477] : memref<3x320x128xf32, #tpu.memory_space<vmem>> -> memref<1x320x128xf32, #tpu.memory_space<vmem>>
    %dma_start3A_479 = tpu.memref_squeeze %dma_start3A_478 : memref<1x320x128xf32, #tpu.memory_space<vmem>> -> memref<320x128xf32, #tpu.memory_space<vmem>>
    %dma_start3A_480 = arith.constant 0 : i32
    %dma_start3A_481 = tpu.memref_slice %arg4[%add3A_474, %dma_start3A_480] : memref<204800x128xf32, #tpu.memory_space<hbm>> -> memref<320x128xf32, #tpu.memory_space<hbm>>
    %dma_start3A_482 = arith.constant 0 : i32
    %dma_start3A_483 = tpu.memref_slice %arg4[%add3A_474, %dma_start3A_482] : memref<204800x128xf32, #tpu.memory_space<hbm>> -> memref<320x128xf32, #tpu.memory_space<hbm>>
    %dma_start3A_484 = arith.constant 0 : i32
    %dma_start3A_485 = arith.constant 0 : i32
    %dma_start3A_486 = tpu.memref_slice %arg6[%dma_start3A_475, %dma_start3A_484, %dma_start3A_485] : memref<3x320x128xf32, #tpu.memory_space<vmem>> -> memref<1x320x128xf32, #tpu.memory_space<vmem>>
    %dma_start3A_487 = tpu.memref_squeeze %dma_start3A_486 : memref<1x320x128xf32, #tpu.memory_space<vmem>> -> memref<320x128xf32, #tpu.memory_space<vmem>>
    tpu.enqueue_dma source(%dma_start3A_487 : memref<320x128xf32, #tpu.memory_space<vmem>>) target(%dma_start3A_483 : memref<320x128xf32, #tpu.memory_space<hbm>>) target_semaphore(%arg10 : memref<!tpu.dma_semaphore, #tpu.memory_space<semaphore_mem>>)
    %dma_wait3A_488 = arith.constant 1 : i32
    %dma_wait3A_489 = arith.constant 0 : i32
    %dma_wait3A_490 = arith.constant 0 : i32
    %dma_wait3A_491 = tpu.memref_slice %arg6[%dma_wait3A_488, %dma_wait3A_489, %dma_wait3A_490] : memref<3x320x128xf32, #tpu.memory_space<vmem>> -> memref<1x320x128xf32, #tpu.memory_space<vmem>>
    %dma_wait3A_492 = tpu.memref_squeeze %dma_wait3A_491 : memref<1x320x128xf32, #tpu.memory_space<vmem>> -> memref<320x128xf32, #tpu.memory_space<vmem>>
    %dma_wait3A_493 = arith.constant 3200 : i32
    %dma_wait3A_494 = tpu.memref_slice %arg5[%dma_wait3A_493] : memref<6400xi32, #tpu.memory_space<vmem>> -> memref<320xi32, #tpu.memory_space<vmem>>
    %dma_wait3A_495 = arith.constant 0 : i32
    %dma_wait3A_496 = arith.constant 0 : i32
    %dma_wait3A_497 = tpu.memref_slice %arg3[%dma_wait3A_495, %dma_wait3A_496] : memref<30522x128xf32, #tpu.memory_space<hbm>> -> memref<30522x128xf32, #tpu.memory_space<hbm>>
    tpu.wait_indirect_dma semaphore(%arg8 : memref<!tpu.dma_semaphore, #tpu.memory_space<semaphore_mem>>) src(%dma_wait3A_497 : memref<30522x128xf32, #tpu.memory_space<hbm>>) dst(%dma_wait3A_492 : memref<320x128xf32, #tpu.memory_space<vmem>>)
    %dma_wait3A_498 = arith.constant 0 : i32
    %dma_wait3A_499 = arith.constant 0 : i32
    %dma_wait3A_500 = arith.constant 0 : i32
    %dma_wait3A_501 = tpu.memref_slice %arg6[%dma_wait3A_498, %dma_wait3A_499, %dma_wait3A_500] : memref<3x320x128xf32, #tpu.memory_space<vmem>> -> memref<1x320x128xf32, #tpu.memory_space<vmem>>
    %dma_wait3A_502 = tpu.memref_squeeze %dma_wait3A_501 : memref<1x320x128xf32, #tpu.memory_space<vmem>> -> memref<320x128xf32, #tpu.memory_space<vmem>>
    %dma_wait3A_503 = arith.constant 0 : i32
    %dma_wait3A_504 = tpu.memref_slice %arg4[%add3A_474, %dma_wait3A_503] : memref<204800x128xf32, #tpu.memory_space<hbm>> -> memref<320x128xf32, #tpu.memory_space<hbm>>
    %dma_wait3A_505 = arith.constant 0 : i32
    %dma_wait3A_506 = tpu.memref_slice %arg4[%add3A_474, %dma_wait3A_505] : memref<204800x128xf32, #tpu.memory_space<hbm>> -> memref<320x128xf32, #tpu.memory_space<hbm>>
    %dma_wait3A_507 = arith.constant 0 : i32
    %dma_wait3A_508 = arith.constant 0 : i32
    %dma_wait3A_509 = tpu.memref_slice %arg6[%dma_wait3A_498, %dma_wait3A_507, %dma_wait3A_508] : memref<3x320x128xf32, #tpu.memory_space<vmem>> -> memref<1x320x128xf32, #tpu.memory_space<vmem>>
    %dma_wait3A_510 = tpu.memref_squeeze %dma_wait3A_509 : memref<1x320x128xf32, #tpu.memory_space<vmem>> -> memref<320x128xf32, #tpu.memory_space<vmem>>
    tpu.wait_dma2 semaphore(%arg10 : memref<!tpu.dma_semaphore, #tpu.memory_space<semaphore_mem>>) src(%dma_wait3A_510 : memref<320x128xf32, #tpu.memory_space<vmem>>) dst(%dma_wait3A_506 : memref<320x128xf32, #tpu.memory_space<hbm>>)
    %dma_start3A_511 = arith.constant 0 : i32
    %dma_start3A_512 = arith.constant 0 : i32
    %dma_start3A_513 = arith.constant 0 : i32
    %dma_start3A_514 = tpu.memref_slice %arg6[%dma_start3A_511, %dma_start3A_512, %dma_start3A_513] : memref<3x320x128xf32, #tpu.memory_space<vmem>> -> memref<1x320x128xf32, #tpu.memory_space<vmem>>
    %dma_start3A_515 = tpu.memref_squeeze %dma_start3A_514 : memref<1x320x128xf32, #tpu.memory_space<vmem>> -> memref<320x128xf32, #tpu.memory_space<vmem>>
    %dma_start3A_516 = arith.constant 3840 : i32
    %dma_start3A_517 = tpu.memref_slice %arg5[%dma_start3A_516] : memref<6400xi32, #tpu.memory_space<vmem>> -> memref<320xi32, #tpu.memory_space<vmem>>
    %dma_start3A_518 = arith.constant 0 : i32
    %dma_start3A_519 = arith.constant 0 : i32
    %dma_start3A_520 = tpu.memref_slice %arg3[%dma_start3A_518, %dma_start3A_519] : memref<30522x128xf32, #tpu.memory_space<hbm>> -> memref<30522x128xf32, #tpu.memory_space<hbm>>
    tpu.enqueue_indirect_dma source(%dma_start3A_520 : memref<30522x128xf32, #tpu.memory_space<hbm>>) target(%dma_start3A_515 : memref<320x128xf32, #tpu.memory_space<vmem>>) offsets(%dma_start3A_517 : memref<320xi32, #tpu.memory_space<vmem>>) semaphore(%arg7 : memref<!tpu.dma_semaphore, #tpu.memory_space<semaphore_mem>>)
    %add3A_521 = arith.constant 3200 : i32
    %add3A_522 = arith.addi %mul3A_2, %add3A_521 : i32
    %dma_start3A_523 = arith.constant 1 : i32
    %dma_start3A_524 = arith.constant 0 : i32
    %dma_start3A_525 = arith.constant 0 : i32
    %dma_start3A_526 = tpu.memref_slice %arg6[%dma_start3A_523, %dma_start3A_524, %dma_start3A_525] : memref<3x320x128xf32, #tpu.memory_space<vmem>> -> memref<1x320x128xf32, #tpu.memory_space<vmem>>
    %dma_start3A_527 = tpu.memref_squeeze %dma_start3A_526 : memref<1x320x128xf32, #tpu.memory_space<vmem>> -> memref<320x128xf32, #tpu.memory_space<vmem>>
    %dma_start3A_528 = arith.constant 0 : i32
    %dma_start3A_529 = tpu.memref_slice %arg4[%add3A_522, %dma_start3A_528] : memref<204800x128xf32, #tpu.memory_space<hbm>> -> memref<320x128xf32, #tpu.memory_space<hbm>>
    %dma_start3A_530 = arith.constant 0 : i32
    %dma_start3A_531 = tpu.memref_slice %arg4[%add3A_522, %dma_start3A_530] : memref<204800x128xf32, #tpu.memory_space<hbm>> -> memref<320x128xf32, #tpu.memory_space<hbm>>
    %dma_start3A_532 = arith.constant 0 : i32
    %dma_start3A_533 = arith.constant 0 : i32
    %dma_start3A_534 = tpu.memref_slice %arg6[%dma_start3A_523, %dma_start3A_532, %dma_start3A_533] : memref<3x320x128xf32, #tpu.memory_space<vmem>> -> memref<1x320x128xf32, #tpu.memory_space<vmem>>
    %dma_start3A_535 = tpu.memref_squeeze %dma_start3A_534 : memref<1x320x128xf32, #tpu.memory_space<vmem>> -> memref<320x128xf32, #tpu.memory_space<vmem>>
    tpu.enqueue_dma source(%dma_start3A_535 : memref<320x128xf32, #tpu.memory_space<vmem>>) target(%dma_start3A_531 : memref<320x128xf32, #tpu.memory_space<hbm>>) target_semaphore(%arg11 : memref<!tpu.dma_semaphore, #tpu.memory_space<semaphore_mem>>)
    %dma_wait3A_536 = arith.constant 2 : i32
    %dma_wait3A_537 = arith.constant 0 : i32
    %dma_wait3A_538 = arith.constant 0 : i32
    %dma_wait3A_539 = tpu.memref_slice %arg6[%dma_wait3A_536, %dma_wait3A_537, %dma_wait3A_538] : memref<3x320x128xf32, #tpu.memory_space<vmem>> -> memref<1x320x128xf32, #tpu.memory_space<vmem>>
    %dma_wait3A_540 = tpu.memref_squeeze %dma_wait3A_539 : memref<1x320x128xf32, #tpu.memory_space<vmem>> -> memref<320x128xf32, #tpu.memory_space<vmem>>
    %dma_wait3A_541 = arith.constant 3520 : i32
    %dma_wait3A_542 = tpu.memref_slice %arg5[%dma_wait3A_541] : memref<6400xi32, #tpu.memory_space<vmem>> -> memref<320xi32, #tpu.memory_space<vmem>>
    %dma_wait3A_543 = arith.constant 0 : i32
    %dma_wait3A_544 = arith.constant 0 : i32
    %dma_wait3A_545 = tpu.memref_slice %arg3[%dma_wait3A_543, %dma_wait3A_544] : memref<30522x128xf32, #tpu.memory_space<hbm>> -> memref<30522x128xf32, #tpu.memory_space<hbm>>
    tpu.wait_indirect_dma semaphore(%arg9 : memref<!tpu.dma_semaphore, #tpu.memory_space<semaphore_mem>>) src(%dma_wait3A_545 : memref<30522x128xf32, #tpu.memory_space<hbm>>) dst(%dma_wait3A_540 : memref<320x128xf32, #tpu.memory_space<vmem>>)
    %dma_wait3A_546 = arith.constant 1 : i32
    %dma_wait3A_547 = arith.constant 0 : i32
    %dma_wait3A_548 = arith.constant 0 : i32
    %dma_wait3A_549 = tpu.memref_slice %arg6[%dma_wait3A_546, %dma_wait3A_547, %dma_wait3A_548] : memref<3x320x128xf32, #tpu.memory_space<vmem>> -> memref<1x320x128xf32, #tpu.memory_space<vmem>>
    %dma_wait3A_550 = tpu.memref_squeeze %dma_wait3A_549 : memref<1x320x128xf32, #tpu.memory_space<vmem>> -> memref<320x128xf32, #tpu.memory_space<vmem>>
    %dma_wait3A_551 = arith.constant 0 : i32
    %dma_wait3A_552 = tpu.memref_slice %arg4[%add3A_522, %dma_wait3A_551] : memref<204800x128xf32, #tpu.memory_space<hbm>> -> memref<320x128xf32, #tpu.memory_space<hbm>>
    %dma_wait3A_553 = arith.constant 0 : i32
    %dma_wait3A_554 = tpu.memref_slice %arg4[%add3A_522, %dma_wait3A_553] : memref<204800x128xf32, #tpu.memory_space<hbm>> -> memref<320x128xf32, #tpu.memory_space<hbm>>
    %dma_wait3A_555 = arith.constant 0 : i32
    %dma_wait3A_556 = arith.constant 0 : i32
    %dma_wait3A_557 = tpu.memref_slice %arg6[%dma_wait3A_546, %dma_wait3A_555, %dma_wait3A_556] : memref<3x320x128xf32, #tpu.memory_space<vmem>> -> memref<1x320x128xf32, #tpu.memory_space<vmem>>
    %dma_wait3A_558 = tpu.memref_squeeze %dma_wait3A_557 : memref<1x320x128xf32, #tpu.memory_space<vmem>> -> memref<320x128xf32, #tpu.memory_space<vmem>>
    tpu.wait_dma2 semaphore(%arg11 : memref<!tpu.dma_semaphore, #tpu.memory_space<semaphore_mem>>) src(%dma_wait3A_558 : memref<320x128xf32, #tpu.memory_space<vmem>>) dst(%dma_wait3A_554 : memref<320x128xf32, #tpu.memory_space<hbm>>)
    %dma_start3A_559 = arith.constant 1 : i32
    %dma_start3A_560 = arith.constant 0 : i32
    %dma_start3A_561 = arith.constant 0 : i32
    %dma_start3A_562 = tpu.memref_slice %arg6[%dma_start3A_559, %dma_start3A_560, %dma_start3A_561] : memref<3x320x128xf32, #tpu.memory_space<vmem>> -> memref<1x320x128xf32, #tpu.memory_space<vmem>>
    %dma_start3A_563 = tpu.memref_squeeze %dma_start3A_562 : memref<1x320x128xf32, #tpu.memory_space<vmem>> -> memref<320x128xf32, #tpu.memory_space<vmem>>
    %dma_start3A_564 = arith.constant 4160 : i32
    %dma_start3A_565 = tpu.memref_slice %arg5[%dma_start3A_564] : memref<6400xi32, #tpu.memory_space<vmem>> -> memref<320xi32, #tpu.memory_space<vmem>>
    %dma_start3A_566 = arith.constant 0 : i32
    %dma_start3A_567 = arith.constant 0 : i32
    %dma_start3A_568 = tpu.memref_slice %arg3[%dma_start3A_566, %dma_start3A_567] : memref<30522x128xf32, #tpu.memory_space<hbm>> -> memref<30522x128xf32, #tpu.memory_space<hbm>>
    tpu.enqueue_indirect_dma source(%dma_start3A_568 : memref<30522x128xf32, #tpu.memory_space<hbm>>) target(%dma_start3A_563 : memref<320x128xf32, #tpu.memory_space<vmem>>) offsets(%dma_start3A_565 : memref<320xi32, #tpu.memory_space<vmem>>) semaphore(%arg8 : memref<!tpu.dma_semaphore, #tpu.memory_space<semaphore_mem>>)
    %add3A_569 = arith.constant 3520 : i32
    %add3A_570 = arith.addi %mul3A_2, %add3A_569 : i32
    %dma_start3A_571 = arith.constant 2 : i32
    %dma_start3A_572 = arith.constant 0 : i32
    %dma_start3A_573 = arith.constant 0 : i32
    %dma_start3A_574 = tpu.memref_slice %arg6[%dma_start3A_571, %dma_start3A_572, %dma_start3A_573] : memref<3x320x128xf32, #tpu.memory_space<vmem>> -> memref<1x320x128xf32, #tpu.memory_space<vmem>>
    %dma_start3A_575 = tpu.memref_squeeze %dma_start3A_574 : memref<1x320x128xf32, #tpu.memory_space<vmem>> -> memref<320x128xf32, #tpu.memory_space<vmem>>
    %dma_start3A_576 = arith.constant 0 : i32
    %dma_start3A_577 = tpu.memref_slice %arg4[%add3A_570, %dma_start3A_576] : memref<204800x128xf32, #tpu.memory_space<hbm>> -> memref<320x128xf32, #tpu.memory_space<hbm>>
    %dma_start3A_578 = arith.constant 0 : i32
    %dma_start3A_579 = tpu.memref_slice %arg4[%add3A_570, %dma_start3A_578] : memref<204800x128xf32, #tpu.memory_space<hbm>> -> memref<320x128xf32, #tpu.memory_space<hbm>>
    %dma_start3A_580 = arith.constant 0 : i32
    %dma_start3A_581 = arith.constant 0 : i32
    %dma_start3A_582 = tpu.memref_slice %arg6[%dma_start3A_571, %dma_start3A_580, %dma_start3A_581] : memref<3x320x128xf32, #tpu.memory_space<vmem>> -> memref<1x320x128xf32, #tpu.memory_space<vmem>>
    %dma_start3A_583 = tpu.memref_squeeze %dma_start3A_582 : memref<1x320x128xf32, #tpu.memory_space<vmem>> -> memref<320x128xf32, #tpu.memory_space<vmem>>
    tpu.enqueue_dma source(%dma_start3A_583 : memref<320x128xf32, #tpu.memory_space<vmem>>) target(%dma_start3A_579 : memref<320x128xf32, #tpu.memory_space<hbm>>) target_semaphore(%arg12 : memref<!tpu.dma_semaphore, #tpu.memory_space<semaphore_mem>>)
    %dma_wait3A_584 = arith.constant 0 : i32
    %dma_wait3A_585 = arith.constant 0 : i32
    %dma_wait3A_586 = arith.constant 0 : i32
    %dma_wait3A_587 = tpu.memref_slice %arg6[%dma_wait3A_584, %dma_wait3A_585, %dma_wait3A_586] : memref<3x320x128xf32, #tpu.memory_space<vmem>> -> memref<1x320x128xf32, #tpu.memory_space<vmem>>
    %dma_wait3A_588 = tpu.memref_squeeze %dma_wait3A_587 : memref<1x320x128xf32, #tpu.memory_space<vmem>> -> memref<320x128xf32, #tpu.memory_space<vmem>>
    %dma_wait3A_589 = arith.constant 3840 : i32
    %dma_wait3A_590 = tpu.memref_slice %arg5[%dma_wait3A_589] : memref<6400xi32, #tpu.memory_space<vmem>> -> memref<320xi32, #tpu.memory_space<vmem>>
    %dma_wait3A_591 = arith.constant 0 : i32
    %dma_wait3A_592 = arith.constant 0 : i32
    %dma_wait3A_593 = tpu.memref_slice %arg3[%dma_wait3A_591, %dma_wait3A_592] : memref<30522x128xf32, #tpu.memory_space<hbm>> -> memref<30522x128xf32, #tpu.memory_space<hbm>>
    tpu.wait_indirect_dma semaphore(%arg7 : memref<!tpu.dma_semaphore, #tpu.memory_space<semaphore_mem>>) src(%dma_wait3A_593 : memref<30522x128xf32, #tpu.memory_space<hbm>>) dst(%dma_wait3A_588 : memref<320x128xf32, #tpu.memory_space<vmem>>)
    %dma_wait3A_594 = arith.constant 2 : i32
    %dma_wait3A_595 = arith.constant 0 : i32
    %dma_wait3A_596 = arith.constant 0 : i32
    %dma_wait3A_597 = tpu.memref_slice %arg6[%dma_wait3A_594, %dma_wait3A_595, %dma_wait3A_596] : memref<3x320x128xf32, #tpu.memory_space<vmem>> -> memref<1x320x128xf32, #tpu.memory_space<vmem>>
    %dma_wait3A_598 = tpu.memref_squeeze %dma_wait3A_597 : memref<1x320x128xf32, #tpu.memory_space<vmem>> -> memref<320x128xf32, #tpu.memory_space<vmem>>
    %dma_wait3A_599 = arith.constant 0 : i32
    %dma_wait3A_600 = tpu.memref_slice %arg4[%add3A_570, %dma_wait3A_599] : memref<204800x128xf32, #tpu.memory_space<hbm>> -> memref<320x128xf32, #tpu.memory_space<hbm>>
    %dma_wait3A_601 = arith.constant 0 : i32
    %dma_wait3A_602 = tpu.memref_slice %arg4[%add3A_570, %dma_wait3A_601] : memref<204800x128xf32, #tpu.memory_space<hbm>> -> memref<320x128xf32, #tpu.memory_space<hbm>>
    %dma_wait3A_603 = arith.constant 0 : i32
    %dma_wait3A_604 = arith.constant 0 : i32
    %dma_wait3A_605 = tpu.memref_slice %arg6[%dma_wait3A_594, %dma_wait3A_603, %dma_wait3A_604] : memref<3x320x128xf32, #tpu.memory_space<vmem>> -> memref<1x320x128xf32, #tpu.memory_space<vmem>>
    %dma_wait3A_606 = tpu.memref_squeeze %dma_wait3A_605 : memref<1x320x128xf32, #tpu.memory_space<vmem>> -> memref<320x128xf32, #tpu.memory_space<vmem>>
    tpu.wait_dma2 semaphore(%arg12 : memref<!tpu.dma_semaphore, #tpu.memory_space<semaphore_mem>>) src(%dma_wait3A_606 : memref<320x128xf32, #tpu.memory_space<vmem>>) dst(%dma_wait3A_602 : memref<320x128xf32, #tpu.memory_space<hbm>>)
    %dma_start3A_607 = arith.constant 2 : i32
    %dma_start3A_608 = arith.constant 0 : i32
    %dma_start3A_609 = arith.constant 0 : i32
    %dma_start3A_610 = tpu.memref_slice %arg6[%dma_start3A_607, %dma_start3A_608, %dma_start3A_609] : memref<3x320x128xf32, #tpu.memory_space<vmem>> -> memref<1x320x128xf32, #tpu.memory_space<vmem>>
    %dma_start3A_611 = tpu.memref_squeeze %dma_start3A_610 : memref<1x320x128xf32, #tpu.memory_space<vmem>> -> memref<320x128xf32, #tpu.memory_space<vmem>>
    %dma_start3A_612 = arith.constant 4480 : i32
    %dma_start3A_613 = tpu.memref_slice %arg5[%dma_start3A_612] : memref<6400xi32, #tpu.memory_space<vmem>> -> memref<320xi32, #tpu.memory_space<vmem>>
    %dma_start3A_614 = arith.constant 0 : i32
    %dma_start3A_615 = arith.constant 0 : i32
    %dma_start3A_616 = tpu.memref_slice %arg3[%dma_start3A_614, %dma_start3A_615] : memref<30522x128xf32, #tpu.memory_space<hbm>> -> memref<30522x128xf32, #tpu.memory_space<hbm>>
    tpu.enqueue_indirect_dma source(%dma_start3A_616 : memref<30522x128xf32, #tpu.memory_space<hbm>>) target(%dma_start3A_611 : memref<320x128xf32, #tpu.memory_space<vmem>>) offsets(%dma_start3A_613 : memref<320xi32, #tpu.memory_space<vmem>>) semaphore(%arg9 : memref<!tpu.dma_semaphore, #tpu.memory_space<semaphore_mem>>)
    %add3A_617 = arith.constant 3840 : i32
    %add3A_618 = arith.addi %mul3A_2, %add3A_617 : i32
    %dma_start3A_619 = arith.constant 0 : i32
    %dma_start3A_620 = arith.constant 0 : i32
    %dma_start3A_621 = arith.constant 0 : i32
    %dma_start3A_622 = tpu.memref_slice %arg6[%dma_start3A_619, %dma_start3A_620, %dma_start3A_621] : memref<3x320x128xf32, #tpu.memory_space<vmem>> -> memref<1x320x128xf32, #tpu.memory_space<vmem>>
    %dma_start3A_623 = tpu.memref_squeeze %dma_start3A_622 : memref<1x320x128xf32, #tpu.memory_space<vmem>> -> memref<320x128xf32, #tpu.memory_space<vmem>>
    %dma_start3A_624 = arith.constant 0 : i32
    %dma_start3A_625 = tpu.memref_slice %arg4[%add3A_618, %dma_start3A_624] : memref<204800x128xf32, #tpu.memory_space<hbm>> -> memref<320x128xf32, #tpu.memory_space<hbm>>
    %dma_start3A_626 = arith.constant 0 : i32
    %dma_start3A_627 = tpu.memref_slice %arg4[%add3A_618, %dma_start3A_626] : memref<204800x128xf32, #tpu.memory_space<hbm>> -> memref<320x128xf32, #tpu.memory_space<hbm>>
    %dma_start3A_628 = arith.constant 0 : i32
    %dma_start3A_629 = arith.constant 0 : i32
    %dma_start3A_630 = tpu.memref_slice %arg6[%dma_start3A_619, %dma_start3A_628, %dma_start3A_629] : memref<3x320x128xf32, #tpu.memory_space<vmem>> -> memref<1x320x128xf32, #tpu.memory_space<vmem>>
    %dma_start3A_631 = tpu.memref_squeeze %dma_start3A_630 : memref<1x320x128xf32, #tpu.memory_space<vmem>> -> memref<320x128xf32, #tpu.memory_space<vmem>>
    tpu.enqueue_dma source(%dma_start3A_631 : memref<320x128xf32, #tpu.memory_space<vmem>>) target(%dma_start3A_627 : memref<320x128xf32, #tpu.memory_space<hbm>>) target_semaphore(%arg10 : memref<!tpu.dma_semaphore, #tpu.memory_space<semaphore_mem>>)
    %dma_wait3A_632 = arith.constant 1 : i32
    %dma_wait3A_633 = arith.constant 0 : i32
    %dma_wait3A_634 = arith.constant 0 : i32
    %dma_wait3A_635 = tpu.memref_slice %arg6[%dma_wait3A_632, %dma_wait3A_633, %dma_wait3A_634] : memref<3x320x128xf32, #tpu.memory_space<vmem>> -> memref<1x320x128xf32, #tpu.memory_space<vmem>>
    %dma_wait3A_636 = tpu.memref_squeeze %dma_wait3A_635 : memref<1x320x128xf32, #tpu.memory_space<vmem>> -> memref<320x128xf32, #tpu.memory_space<vmem>>
    %dma_wait3A_637 = arith.constant 4160 : i32
    %dma_wait3A_638 = tpu.memref_slice %arg5[%dma_wait3A_637] : memref<6400xi32, #tpu.memory_space<vmem>> -> memref<320xi32, #tpu.memory_space<vmem>>
    %dma_wait3A_639 = arith.constant 0 : i32
    %dma_wait3A_640 = arith.constant 0 : i32
    %dma_wait3A_641 = tpu.memref_slice %arg3[%dma_wait3A_639, %dma_wait3A_640] : memref<30522x128xf32, #tpu.memory_space<hbm>> -> memref<30522x128xf32, #tpu.memory_space<hbm>>
    tpu.wait_indirect_dma semaphore(%arg8 : memref<!tpu.dma_semaphore, #tpu.memory_space<semaphore_mem>>) src(%dma_wait3A_641 : memref<30522x128xf32, #tpu.memory_space<hbm>>) dst(%dma_wait3A_636 : memref<320x128xf32, #tpu.memory_space<vmem>>)
    %dma_wait3A_642 = arith.constant 0 : i32
    %dma_wait3A_643 = arith.constant 0 : i32
    %dma_wait3A_644 = arith.constant 0 : i32
    %dma_wait3A_645 = tpu.memref_slice %arg6[%dma_wait3A_642, %dma_wait3A_643, %dma_wait3A_644] : memref<3x320x128xf32, #tpu.memory_space<vmem>> -> memref<1x320x128xf32, #tpu.memory_space<vmem>>
    %dma_wait3A_646 = tpu.memref_squeeze %dma_wait3A_645 : memref<1x320x128xf32, #tpu.memory_space<vmem>> -> memref<320x128xf32, #tpu.memory_space<vmem>>
    %dma_wait3A_647 = arith.constant 0 : i32
    %dma_wait3A_648 = tpu.memref_slice %arg4[%add3A_618, %dma_wait3A_647] : memref<204800x128xf32, #tpu.memory_space<hbm>> -> memref<320x128xf32, #tpu.memory_space<hbm>>
    %dma_wait3A_649 = arith.constant 0 : i32
    %dma_wait3A_650 = tpu.memref_slice %arg4[%add3A_618, %dma_wait3A_649] : memref<204800x128xf32, #tpu.memory_space<hbm>> -> memref<320x128xf32, #tpu.memory_space<hbm>>
    %dma_wait3A_651 = arith.constant 0 : i32
    %dma_wait3A_652 = arith.constant 0 : i32
    %dma_wait3A_653 = tpu.memref_slice %arg6[%dma_wait3A_642, %dma_wait3A_651, %dma_wait3A_652] : memref<3x320x128xf32, #tpu.memory_space<vmem>> -> memref<1x320x128xf32, #tpu.memory_space<vmem>>
    %dma_wait3A_654 = tpu.memref_squeeze %dma_wait3A_653 : memref<1x320x128xf32, #tpu.memory_space<vmem>> -> memref<320x128xf32, #tpu.memory_space<vmem>>
    tpu.wait_dma2 semaphore(%arg10 : memref<!tpu.dma_semaphore, #tpu.memory_space<semaphore_mem>>) src(%dma_wait3A_654 : memref<320x128xf32, #tpu.memory_space<vmem>>) dst(%dma_wait3A_650 : memref<320x128xf32, #tpu.memory_space<hbm>>)
    %dma_start3A_655 = arith.constant 0 : i32
    %dma_start3A_656 = arith.constant 0 : i32
    %dma_start3A_657 = arith.constant 0 : i32
    %dma_start3A_658 = tpu.memref_slice %arg6[%dma_start3A_655, %dma_start3A_656, %dma_start3A_657] : memref<3x320x128xf32, #tpu.memory_space<vmem>> -> memref<1x320x128xf32, #tpu.memory_space<vmem>>
    %dma_start3A_659 = tpu.memref_squeeze %dma_start3A_658 : memref<1x320x128xf32, #tpu.memory_space<vmem>> -> memref<320x128xf32, #tpu.memory_space<vmem>>
    %dma_start3A_660 = arith.constant 4800 : i32
    %dma_start3A_661 = tpu.memref_slice %arg5[%dma_start3A_660] : memref<6400xi32, #tpu.memory_space<vmem>> -> memref<320xi32, #tpu.memory_space<vmem>>
    %dma_start3A_662 = arith.constant 0 : i32
    %dma_start3A_663 = arith.constant 0 : i32
    %dma_start3A_664 = tpu.memref_slice %arg3[%dma_start3A_662, %dma_start3A_663] : memref<30522x128xf32, #tpu.memory_space<hbm>> -> memref<30522x128xf32, #tpu.memory_space<hbm>>
    tpu.enqueue_indirect_dma source(%dma_start3A_664 : memref<30522x128xf32, #tpu.memory_space<hbm>>) target(%dma_start3A_659 : memref<320x128xf32, #tpu.memory_space<vmem>>) offsets(%dma_start3A_661 : memref<320xi32, #tpu.memory_space<vmem>>) semaphore(%arg7 : memref<!tpu.dma_semaphore, #tpu.memory_space<semaphore_mem>>)
    %add3A_665 = arith.constant 4160 : i32
    %add3A_666 = arith.addi %mul3A_2, %add3A_665 : i32
    %dma_start3A_667 = arith.constant 1 : i32
    %dma_start3A_668 = arith.constant 0 : i32
    %dma_start3A_669 = arith.constant 0 : i32
    %dma_start3A_670 = tpu.memref_slice %arg6[%dma_start3A_667, %dma_start3A_668, %dma_start3A_669] : memref<3x320x128xf32, #tpu.memory_space<vmem>> -> memref<1x320x128xf32, #tpu.memory_space<vmem>>
    %dma_start3A_671 = tpu.memref_squeeze %dma_start3A_670 : memref<1x320x128xf32, #tpu.memory_space<vmem>> -> memref<320x128xf32, #tpu.memory_space<vmem>>
    %dma_start3A_672 = arith.constant 0 : i32
    %dma_start3A_673 = tpu.memref_slice %arg4[%add3A_666, %dma_start3A_672] : memref<204800x128xf32, #tpu.memory_space<hbm>> -> memref<320x128xf32, #tpu.memory_space<hbm>>
    %dma_start3A_674 = arith.constant 0 : i32
    %dma_start3A_675 = tpu.memref_slice %arg4[%add3A_666, %dma_start3A_674] : memref<204800x128xf32, #tpu.memory_space<hbm>> -> memref<320x128xf32, #tpu.memory_space<hbm>>
    %dma_start3A_676 = arith.constant 0 : i32
    %dma_start3A_677 = arith.constant 0 : i32
    %dma_start3A_678 = tpu.memref_slice %arg6[%dma_start3A_667, %dma_start3A_676, %dma_start3A_677] : memref<3x320x128xf32, #tpu.memory_space<vmem>> -> memref<1x320x128xf32, #tpu.memory_space<vmem>>
    %dma_start3A_679 = tpu.memref_squeeze %dma_start3A_678 : memref<1x320x128xf32, #tpu.memory_space<vmem>> -> memref<320x128xf32, #tpu.memory_space<vmem>>
    tpu.enqueue_dma source(%dma_start3A_679 : memref<320x128xf32, #tpu.memory_space<vmem>>) target(%dma_start3A_675 : memref<320x128xf32, #tpu.memory_space<hbm>>) target_semaphore(%arg11 : memref<!tpu.dma_semaphore, #tpu.memory_space<semaphore_mem>>)
    %dma_wait3A_680 = arith.constant 2 : i32
    %dma_wait3A_681 = arith.constant 0 : i32
    %dma_wait3A_682 = arith.constant 0 : i32
    %dma_wait3A_683 = tpu.memref_slice %arg6[%dma_wait3A_680, %dma_wait3A_681, %dma_wait3A_682] : memref<3x320x128xf32, #tpu.memory_space<vmem>> -> memref<1x320x128xf32, #tpu.memory_space<vmem>>
    %dma_wait3A_684 = tpu.memref_squeeze %dma_wait3A_683 : memref<1x320x128xf32, #tpu.memory_space<vmem>> -> memref<320x128xf32, #tpu.memory_space<vmem>>
    %dma_wait3A_685 = arith.constant 4480 : i32
    %dma_wait3A_686 = tpu.memref_slice %arg5[%dma_wait3A_685] : memref<6400xi32, #tpu.memory_space<vmem>> -> memref<320xi32, #tpu.memory_space<vmem>>
    %dma_wait3A_687 = arith.constant 0 : i32
    %dma_wait3A_688 = arith.constant 0 : i32
    %dma_wait3A_689 = tpu.memref_slice %arg3[%dma_wait3A_687, %dma_wait3A_688] : memref<30522x128xf32, #tpu.memory_space<hbm>> -> memref<30522x128xf32, #tpu.memory_space<hbm>>
    tpu.wait_indirect_dma semaphore(%arg9 : memref<!tpu.dma_semaphore, #tpu.memory_space<semaphore_mem>>) src(%dma_wait3A_689 : memref<30522x128xf32, #tpu.memory_space<hbm>>) dst(%dma_wait3A_684 : memref<320x128xf32, #tpu.memory_space<vmem>>)
    %dma_wait3A_690 = arith.constant 1 : i32
    %dma_wait3A_691 = arith.constant 0 : i32
    %dma_wait3A_692 = arith.constant 0 : i32
    %dma_wait3A_693 = tpu.memref_slice %arg6[%dma_wait3A_690, %dma_wait3A_691, %dma_wait3A_692] : memref<3x320x128xf32, #tpu.memory_space<vmem>> -> memref<1x320x128xf32, #tpu.memory_space<vmem>>
    %dma_wait3A_694 = tpu.memref_squeeze %dma_wait3A_693 : memref<1x320x128xf32, #tpu.memory_space<vmem>> -> memref<320x128xf32, #tpu.memory_space<vmem>>
    %dma_wait3A_695 = arith.constant 0 : i32
    %dma_wait3A_696 = tpu.memref_slice %arg4[%add3A_666, %dma_wait3A_695] : memref<204800x128xf32, #tpu.memory_space<hbm>> -> memref<320x128xf32, #tpu.memory_space<hbm>>
    %dma_wait3A_697 = arith.constant 0 : i32
    %dma_wait3A_698 = tpu.memref_slice %arg4[%add3A_666, %dma_wait3A_697] : memref<204800x128xf32, #tpu.memory_space<hbm>> -> memref<320x128xf32, #tpu.memory_space<hbm>>
    %dma_wait3A_699 = arith.constant 0 : i32
    %dma_wait3A_700 = arith.constant 0 : i32
    %dma_wait3A_701 = tpu.memref_slice %arg6[%dma_wait3A_690, %dma_wait3A_699, %dma_wait3A_700] : memref<3x320x128xf32, #tpu.memory_space<vmem>> -> memref<1x320x128xf32, #tpu.memory_space<vmem>>
    %dma_wait3A_702 = tpu.memref_squeeze %dma_wait3A_701 : memref<1x320x128xf32, #tpu.memory_space<vmem>> -> memref<320x128xf32, #tpu.memory_space<vmem>>
    tpu.wait_dma2 semaphore(%arg11 : memref<!tpu.dma_semaphore, #tpu.memory_space<semaphore_mem>>) src(%dma_wait3A_702 : memref<320x128xf32, #tpu.memory_space<vmem>>) dst(%dma_wait3A_698 : memref<320x128xf32, #tpu.memory_space<hbm>>)
    %dma_start3A_703 = arith.constant 1 : i32
    %dma_start3A_704 = arith.constant 0 : i32
    %dma_start3A_705 = arith.constant 0 : i32
    %dma_start3A_706 = tpu.memref_slice %arg6[%dma_start3A_703, %dma_start3A_704, %dma_start3A_705] : memref<3x320x128xf32, #tpu.memory_space<vmem>> -> memref<1x320x128xf32, #tpu.memory_space<vmem>>
    %dma_start3A_707 = tpu.memref_squeeze %dma_start3A_706 : memref<1x320x128xf32, #tpu.memory_space<vmem>> -> memref<320x128xf32, #tpu.memory_space<vmem>>
    %dma_start3A_708 = arith.constant 5120 : i32
    %dma_start3A_709 = tpu.memref_slice %arg5[%dma_start3A_708] : memref<6400xi32, #tpu.memory_space<vmem>> -> memref<320xi32, #tpu.memory_space<vmem>>
    %dma_start3A_710 = arith.constant 0 : i32
    %dma_start3A_711 = arith.constant 0 : i32
    %dma_start3A_712 = tpu.memref_slice %arg3[%dma_start3A_710, %dma_start3A_711] : memref<30522x128xf32, #tpu.memory_space<hbm>> -> memref<30522x128xf32, #tpu.memory_space<hbm>>
    tpu.enqueue_indirect_dma source(%dma_start3A_712 : memref<30522x128xf32, #tpu.memory_space<hbm>>) target(%dma_start3A_707 : memref<320x128xf32, #tpu.memory_space<vmem>>) offsets(%dma_start3A_709 : memref<320xi32, #tpu.memory_space<vmem>>) semaphore(%arg8 : memref<!tpu.dma_semaphore, #tpu.memory_space<semaphore_mem>>)
    %add3A_713 = arith.constant 4480 : i32
    %add3A_714 = arith.addi %mul3A_2, %add3A_713 : i32
    %dma_start3A_715 = arith.constant 2 : i32
    %dma_start3A_716 = arith.constant 0 : i32
    %dma_start3A_717 = arith.constant 0 : i32
    %dma_start3A_718 = tpu.memref_slice %arg6[%dma_start3A_715, %dma_start3A_716, %dma_start3A_717] : memref<3x320x128xf32, #tpu.memory_space<vmem>> -> memref<1x320x128xf32, #tpu.memory_space<vmem>>
    %dma_start3A_719 = tpu.memref_squeeze %dma_start3A_718 : memref<1x320x128xf32, #tpu.memory_space<vmem>> -> memref<320x128xf32, #tpu.memory_space<vmem>>
    %dma_start3A_720 = arith.constant 0 : i32
    %dma_start3A_721 = tpu.memref_slice %arg4[%add3A_714, %dma_start3A_720] : memref<204800x128xf32, #tpu.memory_space<hbm>> -> memref<320x128xf32, #tpu.memory_space<hbm>>
    %dma_start3A_722 = arith.constant 0 : i32
    %dma_start3A_723 = tpu.memref_slice %arg4[%add3A_714, %dma_start3A_722] : memref<204800x128xf32, #tpu.memory_space<hbm>> -> memref<320x128xf32, #tpu.memory_space<hbm>>
    %dma_start3A_724 = arith.constant 0 : i32
    %dma_start3A_725 = arith.constant 0 : i32
    %dma_start3A_726 = tpu.memref_slice %arg6[%dma_start3A_715, %dma_start3A_724, %dma_start3A_725] : memref<3x320x128xf32, #tpu.memory_space<vmem>> -> memref<1x320x128xf32, #tpu.memory_space<vmem>>
    %dma_start3A_727 = tpu.memref_squeeze %dma_start3A_726 : memref<1x320x128xf32, #tpu.memory_space<vmem>> -> memref<320x128xf32, #tpu.memory_space<vmem>>
    tpu.enqueue_dma source(%dma_start3A_727 : memref<320x128xf32, #tpu.memory_space<vmem>>) target(%dma_start3A_723 : memref<320x128xf32, #tpu.memory_space<hbm>>) target_semaphore(%arg12 : memref<!tpu.dma_semaphore, #tpu.memory_space<semaphore_mem>>)
    %dma_wait3A_728 = arith.constant 0 : i32
    %dma_wait3A_729 = arith.constant 0 : i32
    %dma_wait3A_730 = arith.constant 0 : i32
    %dma_wait3A_731 = tpu.memref_slice %arg6[%dma_wait3A_728, %dma_wait3A_729, %dma_wait3A_730] : memref<3x320x128xf32, #tpu.memory_space<vmem>> -> memref<1x320x128xf32, #tpu.memory_space<vmem>>
    %dma_wait3A_732 = tpu.memref_squeeze %dma_wait3A_731 : memref<1x320x128xf32, #tpu.memory_space<vmem>> -> memref<320x128xf32, #tpu.memory_space<vmem>>
    %dma_wait3A_733 = arith.constant 4800 : i32
    %dma_wait3A_734 = tpu.memref_slice %arg5[%dma_wait3A_733] : memref<6400xi32, #tpu.memory_space<vmem>> -> memref<320xi32, #tpu.memory_space<vmem>>
    %dma_wait3A_735 = arith.constant 0 : i32
    %dma_wait3A_736 = arith.constant 0 : i32
    %dma_wait3A_737 = tpu.memref_slice %arg3[%dma_wait3A_735, %dma_wait3A_736] : memref<30522x128xf32, #tpu.memory_space<hbm>> -> memref<30522x128xf32, #tpu.memory_space<hbm>>
    tpu.wait_indirect_dma semaphore(%arg7 : memref<!tpu.dma_semaphore, #tpu.memory_space<semaphore_mem>>) src(%dma_wait3A_737 : memref<30522x128xf32, #tpu.memory_space<hbm>>) dst(%dma_wait3A_732 : memref<320x128xf32, #tpu.memory_space<vmem>>)
    %dma_wait3A_738 = arith.constant 2 : i32
    %dma_wait3A_739 = arith.constant 0 : i32
    %dma_wait3A_740 = arith.constant 0 : i32
    %dma_wait3A_741 = tpu.memref_slice %arg6[%dma_wait3A_738, %dma_wait3A_739, %dma_wait3A_740] : memref<3x320x128xf32, #tpu.memory_space<vmem>> -> memref<1x320x128xf32, #tpu.memory_space<vmem>>
    %dma_wait3A_742 = tpu.memref_squeeze %dma_wait3A_741 : memref<1x320x128xf32, #tpu.memory_space<vmem>> -> memref<320x128xf32, #tpu.memory_space<vmem>>
    %dma_wait3A_743 = arith.constant 0 : i32
    %dma_wait3A_744 = tpu.memref_slice %arg4[%add3A_714, %dma_wait3A_743] : memref<204800x128xf32, #tpu.memory_space<hbm>> -> memref<320x128xf32, #tpu.memory_space<hbm>>
    %dma_wait3A_745 = arith.constant 0 : i32
    %dma_wait3A_746 = tpu.memref_slice %arg4[%add3A_714, %dma_wait3A_745] : memref<204800x128xf32, #tpu.memory_space<hbm>> -> memref<320x128xf32, #tpu.memory_space<hbm>>
    %dma_wait3A_747 = arith.constant 0 : i32
    %dma_wait3A_748 = arith.constant 0 : i32
    %dma_wait3A_749 = tpu.memref_slice %arg6[%dma_wait3A_738, %dma_wait3A_747, %dma_wait3A_748] : memref<3x320x128xf32, #tpu.memory_space<vmem>> -> memref<1x320x128xf32, #tpu.memory_space<vmem>>
    %dma_wait3A_750 = tpu.memref_squeeze %dma_wait3A_749 : memref<1x320x128xf32, #tpu.memory_space<vmem>> -> memref<320x128xf32, #tpu.memory_space<vmem>>
    tpu.wait_dma2 semaphore(%arg12 : memref<!tpu.dma_semaphore, #tpu.memory_space<semaphore_mem>>) src(%dma_wait3A_750 : memref<320x128xf32, #tpu.memory_space<vmem>>) dst(%dma_wait3A_746 : memref<320x128xf32, #tpu.memory_space<hbm>>)
    %dma_start3A_751 = arith.constant 2 : i32
    %dma_start3A_752 = arith.constant 0 : i32
    %dma_start3A_753 = arith.constant 0 : i32
    %dma_start3A_754 = tpu.memref_slice %arg6[%dma_start3A_751, %dma_start3A_752, %dma_start3A_753] : memref<3x320x128xf32, #tpu.memory_space<vmem>> -> memref<1x320x128xf32, #tpu.memory_space<vmem>>
    %dma_start3A_755 = tpu.memref_squeeze %dma_start3A_754 : memref<1x320x128xf32, #tpu.memory_space<vmem>> -> memref<320x128xf32, #tpu.memory_space<vmem>>
    %dma_start3A_756 = arith.constant 5440 : i32
    %dma_start3A_757 = tpu.memref_slice %arg5[%dma_start3A_756] : memref<6400xi32, #tpu.memory_space<vmem>> -> memref<320xi32, #tpu.memory_space<vmem>>
    %dma_start3A_758 = arith.constant 0 : i32
    %dma_start3A_759 = arith.constant 0 : i32
    %dma_start3A_760 = tpu.memref_slice %arg3[%dma_start3A_758, %dma_start3A_759] : memref<30522x128xf32, #tpu.memory_space<hbm>> -> memref<30522x128xf32, #tpu.memory_space<hbm>>
    tpu.enqueue_indirect_dma source(%dma_start3A_760 : memref<30522x128xf32, #tpu.memory_space<hbm>>) target(%dma_start3A_755 : memref<320x128xf32, #tpu.memory_space<vmem>>) offsets(%dma_start3A_757 : memref<320xi32, #tpu.memory_space<vmem>>) semaphore(%arg9 : memref<!tpu.dma_semaphore, #tpu.memory_space<semaphore_mem>>)
    %add3A_761 = arith.constant 4800 : i32
    %add3A_762 = arith.addi %mul3A_2, %add3A_761 : i32
    %dma_start3A_763 = arith.constant 0 : i32
    %dma_start3A_764 = arith.constant 0 : i32
    %dma_start3A_765 = arith.constant 0 : i32
    %dma_start3A_766 = tpu.memref_slice %arg6[%dma_start3A_763, %dma_start3A_764, %dma_start3A_765] : memref<3x320x128xf32, #tpu.memory_space<vmem>> -> memref<1x320x128xf32, #tpu.memory_space<vmem>>
    %dma_start3A_767 = tpu.memref_squeeze %dma_start3A_766 : memref<1x320x128xf32, #tpu.memory_space<vmem>> -> memref<320x128xf32, #tpu.memory_space<vmem>>
    %dma_start3A_768 = arith.constant 0 : i32
    %dma_start3A_769 = tpu.memref_slice %arg4[%add3A_762, %dma_start3A_768] : memref<204800x128xf32, #tpu.memory_space<hbm>> -> memref<320x128xf32, #tpu.memory_space<hbm>>
    %dma_start3A_770 = arith.constant 0 : i32
    %dma_start3A_771 = tpu.memref_slice %arg4[%add3A_762, %dma_start3A_770] : memref<204800x128xf32, #tpu.memory_space<hbm>> -> memref<320x128xf32, #tpu.memory_space<hbm>>
    %dma_start3A_772 = arith.constant 0 : i32
    %dma_start3A_773 = arith.constant 0 : i32
    %dma_start3A_774 = tpu.memref_slice %arg6[%dma_start3A_763, %dma_start3A_772, %dma_start3A_773] : memref<3x320x128xf32, #tpu.memory_space<vmem>> -> memref<1x320x128xf32, #tpu.memory_space<vmem>>
    %dma_start3A_775 = tpu.memref_squeeze %dma_start3A_774 : memref<1x320x128xf32, #tpu.memory_space<vmem>> -> memref<320x128xf32, #tpu.memory_space<vmem>>
    tpu.enqueue_dma source(%dma_start3A_775 : memref<320x128xf32, #tpu.memory_space<vmem>>) target(%dma_start3A_771 : memref<320x128xf32, #tpu.memory_space<hbm>>) target_semaphore(%arg10 : memref<!tpu.dma_semaphore, #tpu.memory_space<semaphore_mem>>)
    %dma_wait3A_776 = arith.constant 1 : i32
    %dma_wait3A_777 = arith.constant 0 : i32
    %dma_wait3A_778 = arith.constant 0 : i32
    %dma_wait3A_779 = tpu.memref_slice %arg6[%dma_wait3A_776, %dma_wait3A_777, %dma_wait3A_778] : memref<3x320x128xf32, #tpu.memory_space<vmem>> -> memref<1x320x128xf32, #tpu.memory_space<vmem>>
    %dma_wait3A_780 = tpu.memref_squeeze %dma_wait3A_779 : memref<1x320x128xf32, #tpu.memory_space<vmem>> -> memref<320x128xf32, #tpu.memory_space<vmem>>
    %dma_wait3A_781 = arith.constant 5120 : i32
    %dma_wait3A_782 = tpu.memref_slice %arg5[%dma_wait3A_781] : memref<6400xi32, #tpu.memory_space<vmem>> -> memref<320xi32, #tpu.memory_space<vmem>>
    %dma_wait3A_783 = arith.constant 0 : i32
    %dma_wait3A_784 = arith.constant 0 : i32
    %dma_wait3A_785 = tpu.memref_slice %arg3[%dma_wait3A_783, %dma_wait3A_784] : memref<30522x128xf32, #tpu.memory_space<hbm>> -> memref<30522x128xf32, #tpu.memory_space<hbm>>
    tpu.wait_indirect_dma semaphore(%arg8 : memref<!tpu.dma_semaphore, #tpu.memory_space<semaphore_mem>>) src(%dma_wait3A_785 : memref<30522x128xf32, #tpu.memory_space<hbm>>) dst(%dma_wait3A_780 : memref<320x128xf32, #tpu.memory_space<vmem>>)
    %dma_wait3A_786 = arith.constant 0 : i32
    %dma_wait3A_787 = arith.constant 0 : i32
    %dma_wait3A_788 = arith.constant 0 : i32
    %dma_wait3A_789 = tpu.memref_slice %arg6[%dma_wait3A_786, %dma_wait3A_787, %dma_wait3A_788] : memref<3x320x128xf32, #tpu.memory_space<vmem>> -> memref<1x320x128xf32, #tpu.memory_space<vmem>>
    %dma_wait3A_790 = tpu.memref_squeeze %dma_wait3A_789 : memref<1x320x128xf32, #tpu.memory_space<vmem>> -> memref<320x128xf32, #tpu.memory_space<vmem>>
    %dma_wait3A_791 = arith.constant 0 : i32
    %dma_wait3A_792 = tpu.memref_slice %arg4[%add3A_762, %dma_wait3A_791] : memref<204800x128xf32, #tpu.memory_space<hbm>> -> memref<320x128xf32, #tpu.memory_space<hbm>>
    %dma_wait3A_793 = arith.constant 0 : i32
    %dma_wait3A_794 = tpu.memref_slice %arg4[%add3A_762, %dma_wait3A_793] : memref<204800x128xf32, #tpu.memory_space<hbm>> -> memref<320x128xf32, #tpu.memory_space<hbm>>
    %dma_wait3A_795 = arith.constant 0 : i32
    %dma_wait3A_796 = arith.constant 0 : i32
    %dma_wait3A_797 = tpu.memref_slice %arg6[%dma_wait3A_786, %dma_wait3A_795, %dma_wait3A_796] : memref<3x320x128xf32, #tpu.memory_space<vmem>> -> memref<1x320x128xf32, #tpu.memory_space<vmem>>
    %dma_wait3A_798 = tpu.memref_squeeze %dma_wait3A_797 : memref<1x320x128xf32, #tpu.memory_space<vmem>> -> memref<320x128xf32, #tpu.memory_space<vmem>>
    tpu.wait_dma2 semaphore(%arg10 : memref<!tpu.dma_semaphore, #tpu.memory_space<semaphore_mem>>) src(%dma_wait3A_798 : memref<320x128xf32, #tpu.memory_space<vmem>>) dst(%dma_wait3A_794 : memref<320x128xf32, #tpu.memory_space<hbm>>)
    %dma_start3A_799 = arith.constant 0 : i32
    %dma_start3A_800 = arith.constant 0 : i32
    %dma_start3A_801 = arith.constant 0 : i32
    %dma_start3A_802 = tpu.memref_slice %arg6[%dma_start3A_799, %dma_start3A_800, %dma_start3A_801] : memref<3x320x128xf32, #tpu.memory_space<vmem>> -> memref<1x320x128xf32, #tpu.memory_space<vmem>>
    %dma_start3A_803 = tpu.memref_squeeze %dma_start3A_802 : memref<1x320x128xf32, #tpu.memory_space<vmem>> -> memref<320x128xf32, #tpu.memory_space<vmem>>
    %dma_start3A_804 = arith.constant 5760 : i32
    %dma_start3A_805 = tpu.memref_slice %arg5[%dma_start3A_804] : memref<6400xi32, #tpu.memory_space<vmem>> -> memref<320xi32, #tpu.memory_space<vmem>>
    %dma_start3A_806 = arith.constant 0 : i32
    %dma_start3A_807 = arith.constant 0 : i32
    %dma_start3A_808 = tpu.memref_slice %arg3[%dma_start3A_806, %dma_start3A_807] : memref<30522x128xf32, #tpu.memory_space<hbm>> -> memref<30522x128xf32, #tpu.memory_space<hbm>>
    tpu.enqueue_indirect_dma source(%dma_start3A_808 : memref<30522x128xf32, #tpu.memory_space<hbm>>) target(%dma_start3A_803 : memref<320x128xf32, #tpu.memory_space<vmem>>) offsets(%dma_start3A_805 : memref<320xi32, #tpu.memory_space<vmem>>) semaphore(%arg7 : memref<!tpu.dma_semaphore, #tpu.memory_space<semaphore_mem>>)
    %add3A_809 = arith.constant 5120 : i32
    %add3A_810 = arith.addi %mul3A_2, %add3A_809 : i32
    %dma_start3A_811 = arith.constant 1 : i32
    %dma_start3A_812 = arith.constant 0 : i32
    %dma_start3A_813 = arith.constant 0 : i32
    %dma_start3A_814 = tpu.memref_slice %arg6[%dma_start3A_811, %dma_start3A_812, %dma_start3A_813] : memref<3x320x128xf32, #tpu.memory_space<vmem>> -> memref<1x320x128xf32, #tpu.memory_space<vmem>>
    %dma_start3A_815 = tpu.memref_squeeze %dma_start3A_814 : memref<1x320x128xf32, #tpu.memory_space<vmem>> -> memref<320x128xf32, #tpu.memory_space<vmem>>
    %dma_start3A_816 = arith.constant 0 : i32
    %dma_start3A_817 = tpu.memref_slice %arg4[%add3A_810, %dma_start3A_816] : memref<204800x128xf32, #tpu.memory_space<hbm>> -> memref<320x128xf32, #tpu.memory_space<hbm>>
    %dma_start3A_818 = arith.constant 0 : i32
    %dma_start3A_819 = tpu.memref_slice %arg4[%add3A_810, %dma_start3A_818] : memref<204800x128xf32, #tpu.memory_space<hbm>> -> memref<320x128xf32, #tpu.memory_space<hbm>>
    %dma_start3A_820 = arith.constant 0 : i32
    %dma_start3A_821 = arith.constant 0 : i32
    %dma_start3A_822 = tpu.memref_slice %arg6[%dma_start3A_811, %dma_start3A_820, %dma_start3A_821] : memref<3x320x128xf32, #tpu.memory_space<vmem>> -> memref<1x320x128xf32, #tpu.memory_space<vmem>>
    %dma_start3A_823 = tpu.memref_squeeze %dma_start3A_822 : memref<1x320x128xf32, #tpu.memory_space<vmem>> -> memref<320x128xf32, #tpu.memory_space<vmem>>
    tpu.enqueue_dma source(%dma_start3A_823 : memref<320x128xf32, #tpu.memory_space<vmem>>) target(%dma_start3A_819 : memref<320x128xf32, #tpu.memory_space<hbm>>) target_semaphore(%arg11 : memref<!tpu.dma_semaphore, #tpu.memory_space<semaphore_mem>>)
    %dma_wait3A_824 = arith.constant 2 : i32
    %dma_wait3A_825 = arith.constant 0 : i32
    %dma_wait3A_826 = arith.constant 0 : i32
    %dma_wait3A_827 = tpu.memref_slice %arg6[%dma_wait3A_824, %dma_wait3A_825, %dma_wait3A_826] : memref<3x320x128xf32, #tpu.memory_space<vmem>> -> memref<1x320x128xf32, #tpu.memory_space<vmem>>
    %dma_wait3A_828 = tpu.memref_squeeze %dma_wait3A_827 : memref<1x320x128xf32, #tpu.memory_space<vmem>> -> memref<320x128xf32, #tpu.memory_space<vmem>>
    %dma_wait3A_829 = arith.constant 5440 : i32
    %dma_wait3A_830 = tpu.memref_slice %arg5[%dma_wait3A_829] : memref<6400xi32, #tpu.memory_space<vmem>> -> memref<320xi32, #tpu.memory_space<vmem>>
    %dma_wait3A_831 = arith.constant 0 : i32
    %dma_wait3A_832 = arith.constant 0 : i32
    %dma_wait3A_833 = tpu.memref_slice %arg3[%dma_wait3A_831, %dma_wait3A_832] : memref<30522x128xf32, #tpu.memory_space<hbm>> -> memref<30522x128xf32, #tpu.memory_space<hbm>>
    tpu.wait_indirect_dma semaphore(%arg9 : memref<!tpu.dma_semaphore, #tpu.memory_space<semaphore_mem>>) src(%dma_wait3A_833 : memref<30522x128xf32, #tpu.memory_space<hbm>>) dst(%dma_wait3A_828 : memref<320x128xf32, #tpu.memory_space<vmem>>)
    %dma_wait3A_834 = arith.constant 1 : i32
    %dma_wait3A_835 = arith.constant 0 : i32
    %dma_wait3A_836 = arith.constant 0 : i32
    %dma_wait3A_837 = tpu.memref_slice %arg6[%dma_wait3A_834, %dma_wait3A_835, %dma_wait3A_836] : memref<3x320x128xf32, #tpu.memory_space<vmem>> -> memref<1x320x128xf32, #tpu.memory_space<vmem>>
    %dma_wait3A_838 = tpu.memref_squeeze %dma_wait3A_837 : memref<1x320x128xf32, #tpu.memory_space<vmem>> -> memref<320x128xf32, #tpu.memory_space<vmem>>
    %dma_wait3A_839 = arith.constant 0 : i32
    %dma_wait3A_840 = tpu.memref_slice %arg4[%add3A_810, %dma_wait3A_839] : memref<204800x128xf32, #tpu.memory_space<hbm>> -> memref<320x128xf32, #tpu.memory_space<hbm>>
    %dma_wait3A_841 = arith.constant 0 : i32
    %dma_wait3A_842 = tpu.memref_slice %arg4[%add3A_810, %dma_wait3A_841] : memref<204800x128xf32, #tpu.memory_space<hbm>> -> memref<320x128xf32, #tpu.memory_space<hbm>>
    %dma_wait3A_843 = arith.constant 0 : i32
    %dma_wait3A_844 = arith.constant 0 : i32
    %dma_wait3A_845 = tpu.memref_slice %arg6[%dma_wait3A_834, %dma_wait3A_843, %dma_wait3A_844] : memref<3x320x128xf32, #tpu.memory_space<vmem>> -> memref<1x320x128xf32, #tpu.memory_space<vmem>>
    %dma_wait3A_846 = tpu.memref_squeeze %dma_wait3A_845 : memref<1x320x128xf32, #tpu.memory_space<vmem>> -> memref<320x128xf32, #tpu.memory_space<vmem>>
    tpu.wait_dma2 semaphore(%arg11 : memref<!tpu.dma_semaphore, #tpu.memory_space<semaphore_mem>>) src(%dma_wait3A_846 : memref<320x128xf32, #tpu.memory_space<vmem>>) dst(%dma_wait3A_842 : memref<320x128xf32, #tpu.memory_space<hbm>>)
    %dma_start3A_847 = arith.constant 1 : i32
    %dma_start3A_848 = arith.constant 0 : i32
    %dma_start3A_849 = arith.constant 0 : i32
    %dma_start3A_850 = tpu.memref_slice %arg6[%dma_start3A_847, %dma_start3A_848, %dma_start3A_849] : memref<3x320x128xf32, #tpu.memory_space<vmem>> -> memref<1x320x128xf32, #tpu.memory_space<vmem>>
    %dma_start3A_851 = tpu.memref_squeeze %dma_start3A_850 : memref<1x320x128xf32, #tpu.memory_space<vmem>> -> memref<320x128xf32, #tpu.memory_space<vmem>>
    %dma_start3A_852 = arith.constant 6080 : i32
    %dma_start3A_853 = tpu.memref_slice %arg5[%dma_start3A_852] : memref<6400xi32, #tpu.memory_space<vmem>> -> memref<320xi32, #tpu.memory_space<vmem>>
    %dma_start3A_854 = arith.constant 0 : i32
    %dma_start3A_855 = arith.constant 0 : i32
    %dma_start3A_856 = tpu.memref_slice %arg3[%dma_start3A_854, %dma_start3A_855] : memref<30522x128xf32, #tpu.memory_space<hbm>> -> memref<30522x128xf32, #tpu.memory_space<hbm>>
    tpu.enqueue_indirect_dma source(%dma_start3A_856 : memref<30522x128xf32, #tpu.memory_space<hbm>>) target(%dma_start3A_851 : memref<320x128xf32, #tpu.memory_space<vmem>>) offsets(%dma_start3A_853 : memref<320xi32, #tpu.memory_space<vmem>>) semaphore(%arg8 : memref<!tpu.dma_semaphore, #tpu.memory_space<semaphore_mem>>)
    %add3A_857 = arith.constant 5440 : i32
    %add3A_858 = arith.addi %mul3A_2, %add3A_857 : i32
    %dma_start3A_859 = arith.constant 2 : i32
    %dma_start3A_860 = arith.constant 0 : i32
    %dma_start3A_861 = arith.constant 0 : i32
    %dma_start3A_862 = tpu.memref_slice %arg6[%dma_start3A_859, %dma_start3A_860, %dma_start3A_861] : memref<3x320x128xf32, #tpu.memory_space<vmem>> -> memref<1x320x128xf32, #tpu.memory_space<vmem>>
    %dma_start3A_863 = tpu.memref_squeeze %dma_start3A_862 : memref<1x320x128xf32, #tpu.memory_space<vmem>> -> memref<320x128xf32, #tpu.memory_space<vmem>>
    %dma_start3A_864 = arith.constant 0 : i32
    %dma_start3A_865 = tpu.memref_slice %arg4[%add3A_858, %dma_start3A_864] : memref<204800x128xf32, #tpu.memory_space<hbm>> -> memref<320x128xf32, #tpu.memory_space<hbm>>
    %dma_start3A_866 = arith.constant 0 : i32
    %dma_start3A_867 = tpu.memref_slice %arg4[%add3A_858, %dma_start3A_866] : memref<204800x128xf32, #tpu.memory_space<hbm>> -> memref<320x128xf32, #tpu.memory_space<hbm>>
    %dma_start3A_868 = arith.constant 0 : i32
    %dma_start3A_869 = arith.constant 0 : i32
    %dma_start3A_870 = tpu.memref_slice %arg6[%dma_start3A_859, %dma_start3A_868, %dma_start3A_869] : memref<3x320x128xf32, #tpu.memory_space<vmem>> -> memref<1x320x128xf32, #tpu.memory_space<vmem>>
    %dma_start3A_871 = tpu.memref_squeeze %dma_start3A_870 : memref<1x320x128xf32, #tpu.memory_space<vmem>> -> memref<320x128xf32, #tpu.memory_space<vmem>>
    tpu.enqueue_dma source(%dma_start3A_871 : memref<320x128xf32, #tpu.memory_space<vmem>>) target(%dma_start3A_867 : memref<320x128xf32, #tpu.memory_space<hbm>>) target_semaphore(%arg12 : memref<!tpu.dma_semaphore, #tpu.memory_space<semaphore_mem>>)
    %dma_wait3A_872 = arith.constant 0 : i32
    %dma_wait3A_873 = arith.constant 0 : i32
    %dma_wait3A_874 = arith.constant 0 : i32
    %dma_wait3A_875 = tpu.memref_slice %arg6[%dma_wait3A_872, %dma_wait3A_873, %dma_wait3A_874] : memref<3x320x128xf32, #tpu.memory_space<vmem>> -> memref<1x320x128xf32, #tpu.memory_space<vmem>>
    %dma_wait3A_876 = tpu.memref_squeeze %dma_wait3A_875 : memref<1x320x128xf32, #tpu.memory_space<vmem>> -> memref<320x128xf32, #tpu.memory_space<vmem>>
    %dma_wait3A_877 = arith.constant 5760 : i32
    %dma_wait3A_878 = tpu.memref_slice %arg5[%dma_wait3A_877] : memref<6400xi32, #tpu.memory_space<vmem>> -> memref<320xi32, #tpu.memory_space<vmem>>
    %dma_wait3A_879 = arith.constant 0 : i32
    %dma_wait3A_880 = arith.constant 0 : i32
    %dma_wait3A_881 = tpu.memref_slice %arg3[%dma_wait3A_879, %dma_wait3A_880] : memref<30522x128xf32, #tpu.memory_space<hbm>> -> memref<30522x128xf32, #tpu.memory_space<hbm>>
    tpu.wait_indirect_dma semaphore(%arg7 : memref<!tpu.dma_semaphore, #tpu.memory_space<semaphore_mem>>) src(%dma_wait3A_881 : memref<30522x128xf32, #tpu.memory_space<hbm>>) dst(%dma_wait3A_876 : memref<320x128xf32, #tpu.memory_space<vmem>>)
    %dma_wait3A_882 = arith.constant 2 : i32
    %dma_wait3A_883 = arith.constant 0 : i32
    %dma_wait3A_884 = arith.constant 0 : i32
    %dma_wait3A_885 = tpu.memref_slice %arg6[%dma_wait3A_882, %dma_wait3A_883, %dma_wait3A_884] : memref<3x320x128xf32, #tpu.memory_space<vmem>> -> memref<1x320x128xf32, #tpu.memory_space<vmem>>
    %dma_wait3A_886 = tpu.memref_squeeze %dma_wait3A_885 : memref<1x320x128xf32, #tpu.memory_space<vmem>> -> memref<320x128xf32, #tpu.memory_space<vmem>>
    %dma_wait3A_887 = arith.constant 0 : i32
    %dma_wait3A_888 = tpu.memref_slice %arg4[%add3A_858, %dma_wait3A_887] : memref<204800x128xf32, #tpu.memory_space<hbm>> -> memref<320x128xf32, #tpu.memory_space<hbm>>
    %dma_wait3A_889 = arith.constant 0 : i32
    %dma_wait3A_890 = tpu.memref_slice %arg4[%add3A_858, %dma_wait3A_889] : memref<204800x128xf32, #tpu.memory_space<hbm>> -> memref<320x128xf32, #tpu.memory_space<hbm>>
    %dma_wait3A_891 = arith.constant 0 : i32
    %dma_wait3A_892 = arith.constant 0 : i32
    %dma_wait3A_893 = tpu.memref_slice %arg6[%dma_wait3A_882, %dma_wait3A_891, %dma_wait3A_892] : memref<3x320x128xf32, #tpu.memory_space<vmem>> -> memref<1x320x128xf32, #tpu.memory_space<vmem>>
    %dma_wait3A_894 = tpu.memref_squeeze %dma_wait3A_893 : memref<1x320x128xf32, #tpu.memory_space<vmem>> -> memref<320x128xf32, #tpu.memory_space<vmem>>
    tpu.wait_dma2 semaphore(%arg12 : memref<!tpu.dma_semaphore, #tpu.memory_space<semaphore_mem>>) src(%dma_wait3A_894 : memref<320x128xf32, #tpu.memory_space<vmem>>) dst(%dma_wait3A_890 : memref<320x128xf32, #tpu.memory_space<hbm>>)
    %add3A_895 = arith.constant 5760 : i32
    %add3A_896 = arith.addi %mul3A_2, %add3A_895 : i32
    %dma_start3A_897 = arith.constant 0 : i32
    %dma_start3A_898 = arith.constant 0 : i32
    %dma_start3A_899 = arith.constant 0 : i32
    %dma_start3A_900 = tpu.memref_slice %arg6[%dma_start3A_897, %dma_start3A_898, %dma_start3A_899] : memref<3x320x128xf32, #tpu.memory_space<vmem>> -> memref<1x320x128xf32, #tpu.memory_space<vmem>>
    %dma_start3A_901 = tpu.memref_squeeze %dma_start3A_900 : memref<1x320x128xf32, #tpu.memory_space<vmem>> -> memref<320x128xf32, #tpu.memory_space<vmem>>
    %dma_start3A_902 = arith.constant 0 : i32
    %dma_start3A_903 = tpu.memref_slice %arg4[%add3A_896, %dma_start3A_902] : memref<204800x128xf32, #tpu.memory_space<hbm>> -> memref<320x128xf32, #tpu.memory_space<hbm>>
    %dma_start3A_904 = arith.constant 0 : i32
    %dma_start3A_905 = tpu.memref_slice %arg4[%add3A_896, %dma_start3A_904] : memref<204800x128xf32, #tpu.memory_space<hbm>> -> memref<320x128xf32, #tpu.memory_space<hbm>>
    %dma_start3A_906 = arith.constant 0 : i32
    %dma_start3A_907 = arith.constant 0 : i32
    %dma_start3A_908 = tpu.memref_slice %arg6[%dma_start3A_897, %dma_start3A_906, %dma_start3A_907] : memref<3x320x128xf32, #tpu.memory_space<vmem>> -> memref<1x320x128xf32, #tpu.memory_space<vmem>>
    %dma_start3A_909 = tpu.memref_squeeze %dma_start3A_908 : memref<1x320x128xf32, #tpu.memory_space<vmem>> -> memref<320x128xf32, #tpu.memory_space<vmem>>
    tpu.enqueue_dma source(%dma_start3A_909 : memref<320x128xf32, #tpu.memory_space<vmem>>) target(%dma_start3A_905 : memref<320x128xf32, #tpu.memory_space<hbm>>) target_semaphore(%arg10 : memref<!tpu.dma_semaphore, #tpu.memory_space<semaphore_mem>>)
    %dma_wait3A_910 = arith.constant 1 : i32
    %dma_wait3A_911 = arith.constant 0 : i32
    %dma_wait3A_912 = arith.constant 0 : i32
    %dma_wait3A_913 = tpu.memref_slice %arg6[%dma_wait3A_910, %dma_wait3A_911, %dma_wait3A_912] : memref<3x320x128xf32, #tpu.memory_space<vmem>> -> memref<1x320x128xf32, #tpu.memory_space<vmem>>
    %dma_wait3A_914 = tpu.memref_squeeze %dma_wait3A_913 : memref<1x320x128xf32, #tpu.memory_space<vmem>> -> memref<320x128xf32, #tpu.memory_space<vmem>>
    %dma_wait3A_915 = arith.constant 6080 : i32
    %dma_wait3A_916 = tpu.memref_slice %arg5[%dma_wait3A_915] : memref<6400xi32, #tpu.memory_space<vmem>> -> memref<320xi32, #tpu.memory_space<vmem>>
    %dma_wait3A_917 = arith.constant 0 : i32
    %dma_wait3A_918 = arith.constant 0 : i32
    %dma_wait3A_919 = tpu.memref_slice %arg3[%dma_wait3A_917, %dma_wait3A_918] : memref<30522x128xf32, #tpu.memory_space<hbm>> -> memref<30522x128xf32, #tpu.memory_space<hbm>>
    tpu.wait_indirect_dma semaphore(%arg8 : memref<!tpu.dma_semaphore, #tpu.memory_space<semaphore_mem>>) src(%dma_wait3A_919 : memref<30522x128xf32, #tpu.memory_space<hbm>>) dst(%dma_wait3A_914 : memref<320x128xf32, #tpu.memory_space<vmem>>)
    %dma_wait3A_920 = arith.constant 0 : i32
    %dma_wait3A_921 = arith.constant 0 : i32
    %dma_wait3A_922 = arith.constant 0 : i32
    %dma_wait3A_923 = tpu.memref_slice %arg6[%dma_wait3A_920, %dma_wait3A_921, %dma_wait3A_922] : memref<3x320x128xf32, #tpu.memory_space<vmem>> -> memref<1x320x128xf32, #tpu.memory_space<vmem>>
    %dma_wait3A_924 = tpu.memref_squeeze %dma_wait3A_923 : memref<1x320x128xf32, #tpu.memory_space<vmem>> -> memref<320x128xf32, #tpu.memory_space<vmem>>
    %dma_wait3A_925 = arith.constant 0 : i32
    %dma_wait3A_926 = tpu.memref_slice %arg4[%add3A_896, %dma_wait3A_925] : memref<204800x128xf32, #tpu.memory_space<hbm>> -> memref<320x128xf32, #tpu.memory_space<hbm>>
    %dma_wait3A_927 = arith.constant 0 : i32
    %dma_wait3A_928 = tpu.memref_slice %arg4[%add3A_896, %dma_wait3A_927] : memref<204800x128xf32, #tpu.memory_space<hbm>> -> memref<320x128xf32, #tpu.memory_space<hbm>>
    %dma_wait3A_929 = arith.constant 0 : i32
    %dma_wait3A_930 = arith.constant 0 : i32
    %dma_wait3A_931 = tpu.memref_slice %arg6[%dma_wait3A_920, %dma_wait3A_929, %dma_wait3A_930] : memref<3x320x128xf32, #tpu.memory_space<vmem>> -> memref<1x320x128xf32, #tpu.memory_space<vmem>>
    %dma_wait3A_932 = tpu.memref_squeeze %dma_wait3A_931 : memref<1x320x128xf32, #tpu.memory_space<vmem>> -> memref<320x128xf32, #tpu.memory_space<vmem>>
    tpu.wait_dma2 semaphore(%arg10 : memref<!tpu.dma_semaphore, #tpu.memory_space<semaphore_mem>>) src(%dma_wait3A_932 : memref<320x128xf32, #tpu.memory_space<vmem>>) dst(%dma_wait3A_928 : memref<320x128xf32, #tpu.memory_space<hbm>>)
    %add3A_933 = arith.constant 6080 : i32
    %add3A_934 = arith.addi %mul3A_2, %add3A_933 : i32
    %dma_start3A_935 = arith.constant 1 : i32
    %dma_start3A_936 = arith.constant 0 : i32
    %dma_start3A_937 = arith.constant 0 : i32
    %dma_start3A_938 = tpu.memref_slice %arg6[%dma_start3A_935, %dma_start3A_936, %dma_start3A_937] : memref<3x320x128xf32, #tpu.memory_space<vmem>> -> memref<1x320x128xf32, #tpu.memory_space<vmem>>
    %dma_start3A_939 = tpu.memref_squeeze %dma_start3A_938 : memref<1x320x128xf32, #tpu.memory_space<vmem>> -> memref<320x128xf32, #tpu.memory_space<vmem>>
    %dma_start3A_940 = arith.constant 0 : i32
    %dma_start3A_941 = tpu.memref_slice %arg4[%add3A_934, %dma_start3A_940] : memref<204800x128xf32, #tpu.memory_space<hbm>> -> memref<320x128xf32, #tpu.memory_space<hbm>>
    %dma_start3A_942 = arith.constant 0 : i32
    %dma_start3A_943 = tpu.memref_slice %arg4[%add3A_934, %dma_start3A_942] : memref<204800x128xf32, #tpu.memory_space<hbm>> -> memref<320x128xf32, #tpu.memory_space<hbm>>
    %dma_start3A_944 = arith.constant 0 : i32
    %dma_start3A_945 = arith.constant 0 : i32
    %dma_start3A_946 = tpu.memref_slice %arg6[%dma_start3A_935, %dma_start3A_944, %dma_start3A_945] : memref<3x320x128xf32, #tpu.memory_space<vmem>> -> memref<1x320x128xf32, #tpu.memory_space<vmem>>
    %dma_start3A_947 = tpu.memref_squeeze %dma_start3A_946 : memref<1x320x128xf32, #tpu.memory_space<vmem>> -> memref<320x128xf32, #tpu.memory_space<vmem>>
    tpu.enqueue_dma source(%dma_start3A_947 : memref<320x128xf32, #tpu.memory_space<vmem>>) target(%dma_start3A_943 : memref<320x128xf32, #tpu.memory_space<hbm>>) target_semaphore(%arg11 : memref<!tpu.dma_semaphore, #tpu.memory_space<semaphore_mem>>)
    %dma_wait3A_948 = arith.constant 1 : i32
    %dma_wait3A_949 = arith.constant 0 : i32
    %dma_wait3A_950 = arith.constant 0 : i32
    %dma_wait3A_951 = tpu.memref_slice %arg6[%dma_wait3A_948, %dma_wait3A_949, %dma_wait3A_950] : memref<3x320x128xf32, #tpu.memory_space<vmem>> -> memref<1x320x128xf32, #tpu.memory_space<vmem>>
    %dma_wait3A_952 = tpu.memref_squeeze %dma_wait3A_951 : memref<1x320x128xf32, #tpu.memory_space<vmem>> -> memref<320x128xf32, #tpu.memory_space<vmem>>
    %dma_wait3A_953 = arith.constant 0 : i32
    %dma_wait3A_954 = tpu.memref_slice %arg4[%add3A_934, %dma_wait3A_953] : memref<204800x128xf32, #tpu.memory_space<hbm>> -> memref<320x128xf32, #tpu.memory_space<hbm>>
    %dma_wait3A_955 = arith.constant 0 : i32
    %dma_wait3A_956 = tpu.memref_slice %arg4[%add3A_934, %dma_wait3A_955] : memref<204800x128xf32, #tpu.memory_space<hbm>> -> memref<320x128xf32, #tpu.memory_space<hbm>>
    %dma_wait3A_957 = arith.constant 0 : i32
    %dma_wait3A_958 = arith.constant 0 : i32
    %dma_wait3A_959 = tpu.memref_slice %arg6[%dma_wait3A_948, %dma_wait3A_957, %dma_wait3A_958] : memref<3x320x128xf32, #tpu.memory_space<vmem>> -> memref<1x320x128xf32, #tpu.memory_space<vmem>>
    %dma_wait3A_960 = tpu.memref_squeeze %dma_wait3A_959 : memref<1x320x128xf32, #tpu.memory_space<vmem>> -> memref<320x128xf32, #tpu.memory_space<vmem>>
    tpu.wait_dma2 semaphore(%arg11 : memref<!tpu.dma_semaphore, #tpu.memory_space<semaphore_mem>>) src(%dma_wait3A_960 : memref<320x128xf32, #tpu.memory_space<vmem>>) dst(%dma_wait3A_956 : memref<320x128xf32, #tpu.memory_space<hbm>>)
    return
  }
}

</mosaic_0001>

<sc_bundles>
// kernel: kernel.3.cloned.1.call-start
scs
__scs_entry_jumppad:
0x0: {  	(pc) =	sbr.rel $0x88, $3  }
0x1: {  	(tag) =	ssettag $0x0;
	lr =	simm.s32 $0x1  }
0x2: {  	[smem:$0x3F9F] =	sst lr;
	_ =	strace $0xD0000000  }
0x3: {  	_ = 	snop  }
0x4: {  	_ = 	snop  }
0x5: {  	_ = 	snop  }
0x6: {  	_ = 	snop  }
0x7: {  	_ = 	snop  }
__scs_overlays_trampoline_lowered:
0x8: {  	[smem:$0x3FAE] =	sst s0  }
0x9: {  	[smem:$0x3FAF] =	sst s1  }
0xa: {  	[smem:$0x3FB0] =	sst s2  }
0xb: {  	[smem:$0x3FB1] =	sst s3  }
0xc: {  	[smem:$0x3FB2] =	sst s4  }
0xd: {  	[smem:$0x3FB3] =	sst s5  }
0xe: {  	[smem:$0x3FB4] =	sst s6  }
0xf: {  	[smem:$0x3FB5] =	sst s7  }
0x10: {  	[smem:$0x3FB6] =	sst s8  }
0x11: {  	[smem:$0x3FB7] =	sst s9;
	s0 =	simm.s32 @!p0 $0x0  }
0x12: {  	s1 =	sld [smem:$0x3F9D];
	s0 =	simm.s32 @p0 $0x1  }
0x13: {  	[smem:$0x3FB8] =	sst s0;
	s0 =	simm.s32 @!p1 $0x0  }
0x14: {  	s2 =	sld [smem:$0x3F9C];
	s0 =	simm.s32 @p1 $0x1  }
0x15: {  	[smem:$0x3FB9] =	sst s0;
	s0 =	simm.s32 @!p2 $0x0  }
0x16: {  	s3 =	sld [smem:$0x3FDB];
	s0 =	simm.s32 @p2 $0x1  }
0x17: {  	s4 =	simm.s32 $0x1BF5;
	[smem:$0x3FBB] =	sst s0  }
0x18: {  	s0 =	sld [smem:$0x3F9E];
	_ =	swait.ge [sflag:s4], $0x0  }
0x19: {  	s7 =	sld [smem:$0x3F9F]  }
0x1a: {  	s8 =	sadd.s32 $0xFFFFE003, lr  }
0x1b: {  	s9 =	sadd.s32 $0xFFFFFEF7, lr;
	s5 =	simm.s32 $0xFFFFFFFF;
	p2 =	slt.u32 s8, $0xFFFFF086  }
0x1c: {  	p1 =	slt.u32 s9, $0xF7A;
	s5 =	simm.s32 @!p2 $0x0  }
0x1d: {  	s5 =	simm.s32 @p1 $0x1;
	p0 =	seq.s32 s7, s2  }
0x1e: {  	s7 =	smul.u32 @!p0 $0xF7A, s2;
	p2 =	seq.s32 @!p0 s5, $0x0  }
0x1f: {  	s9 =	smul.u32 $0xF7A, s1;
	s8 =	simm.s32 @!p0 $0x1BF5;
	p2 =	por !p2, p0  }
0x20: {  	[sflag:s8] =	ssyncset.s32 @!p0 $0xFFFFF086;
	s6 =	sadd.s32 @!p0 s3, s7;
	s7 =	simm.s32 @!p0 $0x108  }
0x21: {  	s3 =	sadd.s32 s3, s9;
	s6 =	sadd.s32 @!p0 $0x88, s6;
	s7 =	simm.s32 @p2 $0x1082  }
0x22: {  	[simem:s7], [sflag:s8] =	dma.local @!p0 [hbm:s6], $0xF7A  }
0x23: {  	s9 =	sor.u32 $0xD0000000, s2;
	s6 =	simm.s32 $0x108;
	_ =	swait.ge @!p0 [sflag:s8], $0x0  }
0x24: {  	s3 =	sadd.s32 $0x88, s3;
	s6 =	simm.s32 @!p1 $0x1082;
	[sflag:s4] =	ssyncset.s32 $0xFFFFF086  }
0x25: {  	[simem:s6], [sflag:s4] =	dma.local [hbm:s3], $0xF7A  }
0x26: {  	[smem:$0x3F9F] =	sst s1;
	(tag) =	ssettag s2;
	_ =	strace s9  }
0x27: {  	s1 =	sld [smem:$0x3FAF]  }
0x28: {  	s2 =	sld [smem:$0x3FB0]  }
0x29: {  	s4 =	sld [smem:$0x3FB2]  }
0x2a: {  	p0 =	seq.s32 s5, $0x0;
	s5 =	sld [smem:$0x3FB3]  }
0x2b: {  	s6 =	sld [smem:$0x3FB4]  }
0x2c: {  	s7 =	sld [smem:$0x3FB5]  }
0x2d: {  	s3 =	simm.s32 $0x108;
	s8 =	sld [smem:$0x3FB6]  }
0x2e: {  	s3 =	simm.s32 @!p0 $0x1082;
	s9 =	sld [smem:$0x3FB7]  }
0x2f: {  	lr =	sadd.s32 s0, s3;
	s0 =	sld [smem:$0x3FAE]  }
0x30: {  	s3 =	sld [smem:$0x3FB1]  }
0x31: {  	[smem:$0x3FBA] =	sst s10  }
0x32: {  	s10 =	sld [smem:$0x3FB8];
	_ =	sdelay $0x3  }
0x33: {  	p0 =	seq.s32 s10, $0x1;
	s10 =	sld [smem:$0x3FBA];
	_ =	sdelay $0x3  }
0x34: {  	[smem:$0x3FBA] =	sst s10  }
0x35: {  	s10 =	sld [smem:$0x3FB9];
	_ =	sdelay $0x3  }
0x36: {  	p1 =	seq.s32 s10, $0x1;
	s10 =	sld [smem:$0x3FBA];
	_ =	sdelay $0x3  }
0x37: {  	[smem:$0x3FBA] =	sst s10  }
0x38: {  	s10 =	sld [smem:$0x3FBB]  }
0x39: {  	_ = 	snop;
	(pc) =	sbr.ind lr, $3  }
0x3a: {  	_ = 	snop  }
0x3b: {  	_ = 	snop  }
0x3c: {  	p2 =	seq.s32 s10, $0x1;
	s10 =	sld [smem:$0x3FBA]  }
0x3d: {  	_ =	shalt  }
0x3e: {  	_ =	shalt  }
0x3f: {  	_ =	shalt  }
0x40: {  	_ =	shalt  }
0x41: {  	_ =	shalt  }
0x42: {  	_ =	shalt  }
0x43: {  	_ =	shalt  }
0x44: {  	_ =	shalt  }
0x45: {  	_ =	shalt  }
0x46: {  	_ =	shalt  }
0x47: {  	_ =	shalt  }
0x48: {  	_ =	shalt  }
0x49: {  	_ =	shalt  }
0x4a: {  	_ =	shalt  }
0x4b: {  	_ =	shalt  }
0x4c: {  	_ =	shalt  }
0x4d: {  	_ =	shalt  }
0x4e: {  	_ =	shalt  }
0x4f: {  	_ =	shalt  }
0x50: {  	_ =	shalt  }
0x51: {  	_ =	shalt  }
0x52: {  	_ =	shalt  }
0x53: {  	_ =	shalt  }
0x54: {  	_ =	shalt  }
0x55: {  	_ =	shalt  }
0x56: {  	_ =	shalt  }
0x57: {  	_ =	shalt  }
0x58: {  	_ =	shalt  }
0x59: {  	_ =	shalt  }
0x5a: {  	_ =	shalt  }
0x5b: {  	_ =	shalt  }
0x5c: {  	_ =	shalt  }
0x5d: {  	_ =	shalt  }
0x5e: {  	_ =	shalt  }
0x5f: {  	_ =	shalt  }
0x60: {  	_ =	shalt  }
0x61: {  	_ =	shalt  }
0x62: {  	_ =	shalt  }
0x63: {  	_ =	shalt  }
0x64: {  	_ =	shalt  }
0x65: {  	_ =	shalt  }
0x66: {  	_ =	shalt  }
0x67: {  	_ =	shalt  }
0x68: {  	_ =	shalt  }
0x69: {  	_ =	shalt  }
0x6a: {  	_ =	shalt  }
0x6b: {  	_ =	shalt  }
0x6c: {  	_ =	shalt  }
0x6d: {  	_ =	shalt  }
0x6e: {  	_ =	shalt  }
0x6f: {  	_ =	shalt  }
0x70: {  	_ =	shalt  }
0x71: {  	_ =	shalt  }
0x72: {  	_ =	shalt  }
0x73: {  	_ =	shalt  }
0x74: {  	_ =	shalt  }
0x75: {  	_ =	shalt  }
0x76: {  	_ =	shalt  }
0x77: {  	_ =	shalt  }
0x78: {  	_ =	shalt  }
0x79: {  	_ =	shalt  }
0x7a: {  	_ =	shalt  }
0x7b: {  	_ =	shalt  }
0x7c: {  	_ =	shalt  }
0x7d: {  	_ =	shalt  }
0x7e: {  	_ =	shalt  }
0x7f: {  	_ =	shalt  }
0x80: {  	_ =	shalt  }
0x81: {  	_ =	shalt  }
0x82: {  	_ =	shalt  }
0x83: {  	_ =	shalt  }
0x84: {  	_ =	shalt  }
0x85: {  	_ =	shalt  }
0x86: {  	_ =	shalt  }
0x87: {  	_ =	shalt  }
.Lfunc_end0:
.L_simem_size_0:
called_computation_lowered:
.L_overlay_start_0:
0x88: {  	s2 =	sld [smem:$0x3FD9]  }
0x89: {  	s3 =	sld [smem:$0x3FFE];
	_ =	sdelay $0x1  }
0x8a: {  	s1 =	srdreg.scid  }
0x8b: {  	s0 =	sand.u32 $0x1, s1  }
0x8c: {  	s17 =	sshll.u32 s0, $0xA;
	s2 =	sadd.s32 s3, s2  }
0x8d: {  	s2 =	sadd.s32 s2, s17  }
0x8e: {  	[smem:$0x3FC6] =	sst s2  }
0x8f: {  	_ = 	snop  }
0x90: {  	s2 =	sld [smem:$0x3FC8]  }
0x91: {  	s18 =	sld [smem:$0x3FD0];
	(tm) =	ssettm $0x1  }
0x92: {  	s4 =	sld [smem:$0x3FFB];
	_ =	sdelay $0x3  }
0x93: {  	_ =	strace s4  }
0x94: {  	s4 =	sld [smem:$0x3FFC];
	_ =	sdelay $0x3  }
0x95: {  	_ =	strace s4  }
0x96: {  	s4 =	sld [smem:$0x3FFD];
	_ =	sdelay $0x3  }
0x97: {  	_ =	strace s4  }
0x98: {  	_ =	strace $0x8FFFFFFF  }
0x99: {  	s19 =	sld [smem:$0x3FDB];
	_ =	sdelay $0x1  }
0x9a: {  	s5 =	simm.s32 $_scs_section_size  }
0x9b: {  	s6 =	simm.s32 $_size__tile_overlayer_lowered;
	s7 =	simm.s32 $_tile_overlayer_lowered  }
0x9c: {  	s22 =	simm.s32 $0x1BFF;
	s21 =	sshll.u32 s7, $0x1;
	s4 =	sadd.s32 s5, s19  }
0x9d: {  	s8 =	simm.s32 $0x0;
	s20 =	sshll.u32 s6, $0x1;
	s6 =	sadd.s32 s21, s4  }
0x9e: {  	[timem:s8], [sflag:s22] =	dma.local [hbm:s6], s20  }
0x9f: {  	_ =	swait.ge [sflag:s22], s20  }
0xa0: {  	s5 =	ssub.s32 $0x0, s20;
	[sflag:s22] =	ssyncset.done $0x0  }
0xa1: {  	[sflag:s22] =	ssyncadd.s32 s5;
	_ =	sdelay $0x1  }
0xa2: {  	s23 =	simm.s32 $0x1B8B  }
0xa3: {  	_ =	swait.ge [sflag:s23], $0x1  }
0xa4: {  	[sflag:s23] =	ssyncset.done $0x0  }
0xa5: {  	s25 =	simm.s32 $0x1B8E;
	s24 =	sld [smem:$0x3FFE];
	[sflag:s23] =	ssyncadd.s32 $0xFFFFFFFF  }
0xa6: {  	s26 =	simm.s32 $execute0_lowered;
	[smem:$0x3FD2] =	sst s25  }
0xa7: {  	s6 =	sshll.u32 s26, $0x1;
	_ =	strace $0x80000046;
	[dreg:$0x1] =	wrdreg $0xFFFFFFFF  }
0xa8: {  	s28 =	simm.s32 $_size_execute0_lowered;
	s4 =	sadd.s32 s4, s6;
	[dreg:$0x0] =	wrdreg $0x0  }
0xa9: {  	s6 =	sshll.u32 s28, $0x1;
	[dreg:$0x2] =	wrdreg s4  }
0xaa: {  	[dreg:$0x3] =	wrdreg s6  }
0xab: {  	[dreg:$0x4] =	wrdreg $0xC0  }
0xac: {  	_ =	task [dreg:s8], $0x5FFFF  }
0xad: {  	[dreg:$0x1] =	wrdreg $0xFFFFFFFF  }
0xae: {  	[dreg:$0x0] =	wrdreg $0x60  }
0xaf: {  	[dreg:$0x2] =	wrdreg s24  }
0xb0: {  	[dreg:$0x3] =	wrdreg s2  }
0xb1: {  	[dreg:$0x4] =	wrdreg s18  }
0xb2: {  	[dreg:$0x5] =	wrdreg $0x9  }
0xb3: {  	_ =	task.clear_ibuf [dreg:s8], $0x6FFFF;
	_ =	strace $0x90000046  }
0xb4: {  	s29 =	simm.s32 $0x9;
	_ =	strace $0x80000048  }
0xb5: {  	_ =	swait.ge [sflag:s29], $0x1  }
0xb6: {  	[sflag:s29] =	ssyncadd.s32 $0xFFFFFFFF  }
0xb7: {  	_ =	strace $0x90000048  }
0xb8: {  	_ =	sfence  }
0xb9: {  	s30 =	sld [smem:$0x0];
	_ =	sdelay $0x2  }
0xba: {  	s31 =	sshll.u32 s1, $0xD;
	s1 =	sshrl.u32 s1, $0x2  }
0xbb: {  	s3 =	sand.u32 $0x4000, s31;
	s1 =	sadd.s32 s1, s30  }
0xbc: {  	s0 =	sor.u32 s3, s0;
	s1 =	sshll.u32 s1, $0x11  }
0xbd: {  	s0 =	sor.u32 s1, s0  }
0xbe: {  	s0 =	sadd.s32 $0x8F2B, s0  }
0xbf: {  	[sflag:s0] =	ssyncadd.remote.s32 $0x1  }
0xc0: {  	_ =	sfence.sel $0xFFFF  }
0xc1: {  	[dreg:$0x0] =	wrdreg $0xFFFFFFFF;
	(pc) =	sbr.abs _section_cstart, $3  }
0xc2: {  	[dreg:$0x1] =	wrdreg $0xFFFFFFFF  }
0xc3: {  	_ =	task.clear_ibuf [dreg:s8], $0x2FFFF;
	_ =	strace $0x9FFFFFFF  }
0xc4: {  	(tm) =	ssettm $0x7FFFFFFF  }
0xc5: {  	_ =	shalt  }
tec
execute0_lowered:
.L_overlay_start_1:
0x0: {  	(tag) =	ssettag $0x1  }
0x1: {  	s0 =	srdreg.scid;
	s14 =	stileid.u32  }
0x2: {  	s0 =	sand.u32 $0x1, s0;
	s2 =	sshll.u32 s14, $0x1  }
0x3: {  	s4 =	sor.u32 s0, s2  }
0x4: {  	s1 =	rddreg [dreg:$0x0];
	s6 =	smul.u32 $0x320, s4  }
0x5: {  	s3 =	rddreg [dreg:$0x1];
	s2 =	simm.s32 $0x0;
	s7 =	smul.u32 $0xC8000, s4  }
0x6: {  	[smem:$0x7FF] =	sst s2;
	s4 =	smul.u32 $0x19000, s4  }
0x7: {  	s5 =	rddreg [dreg:$0x2];
	_ =	strace $0x80000047  }
0x8: {  	s1 =	sadd.s32 s6, s1;
	s23 =	sshrl.u32 s7, $0x3;
	s24 =	sadd.s32 s5, s4  }
0x9: {  	s1 =	sadd.s32 $0x400, s1;
	s25 =	sadd.s32 s5, s23;
	[dreg:$0x5] =	wrdreg s24  }
0xa: {  	[dreg:$0x4] =	wrdreg s1;
	s26 =	sadd.s32 $0x1400, s25  }
0xb: {  	s5 =	sadd.s32 $0x2800, s25;
	[dreg:$0x6] =	wrdreg s26  }
0xc: {  	s6 =	sadd.s32 $0x3C00, s25;
	[dreg:$0x7] =	wrdreg s5  }
0xd: {  	s7 =	sadd.s32 $0x5000, s25;
	[dreg:$0x8] =	wrdreg s6  }
0xe: {  	s8 =	sadd.s32 $0x6400, s25;
	[dreg:$0x9] =	wrdreg s7  }
0xf: {  	s9 =	sadd.s32 $0x7800, s25;
	[dreg:$0xa] =	wrdreg s8  }
0x10: {  	s10 =	sadd.s32 $0x8C00, s25;
	[dreg:$0xb] =	wrdreg s9  }
0x11: {  	s11 =	sadd.s32 $0xA000, s25;
	[dreg:$0xc] =	wrdreg s10  }
0x12: {  	s12 =	sadd.s32 $0xB400, s25;
	[dreg:$0xd] =	wrdreg s11  }
0x13: {  	s31 =	simm.s32 $0x7;
	s13 =	sadd.s32 $0xC800, s25;
	[dreg:$0xe] =	wrdreg s12  }
0x14: {  	s30 =	simm.s32 $0x640;
	s15 =	sadd.s32 $0xDC00, s25;
	[dreg:$0xf] =	wrdreg s13  }
0x15: {  	s29 =	simm.s32 $0x780;
	s16 =	sadd.s32 $0xF000, s25;
	[dreg:$0x10] =	wrdreg s15  }
0x16: {  	s28 =	simm.s32 $0x8C0;
	s17 =	sadd.s32 $0x10400, s25;
	[dreg:$0x11] =	wrdreg s16  }
0x17: {  	p0 =	por $0x0, $0x0;
	s18 =	sadd.s32 $0x11800, s25;
	[dreg:$0x12] =	wrdreg s17  }
0x18: {  	s0 =	ssub.s32 $0x2, s0;
	s19 =	sadd.s32 $0x12C00, s25;
	[dreg:$0x13] =	wrdreg s18  }
0x19: {  	s4 =	simm.s32 $0xB900;
	s20 =	sadd.s32 $0x14000, s25;
	[dreg:$0x14] =	wrdreg s19  }
0x1a: {  	s23 =	sshrl.u32 s0, $0x1;
	s21 =	sadd.s32 $0x15400, s25;
	[dreg:$0x15] =	wrdreg s20  }
0x1b: {  	s22 =	sadd.s32 $0x16800, s25;
	s24 =	sadd.s32 $0x17C00, s25;
	[dreg:$0x16] =	wrdreg s21  }
0x1c: {  	s0 =	ssub.s32 s0, s23;
	s25 =	simm.s32 $0x280;
	[dreg:$0x17] =	wrdreg s22  }
0x1d: {  	s23 =	simm.s32 $0xDC0;
	[dreg:$0x18] =	wrdreg s24;
	s0 =	smax.u32 s0, $0x1  }
0x1e: {  	s9 =	simm.s32 $0x140;
	s5 =	simm.s32 $0x1900;
	s10 =	simm.s32 $0x1  }
0x1f: {  	[dreg:$0x19] =	wrdreg s25;
	s11 =	simm.s32 $0x15900;
	s8 =	simm.s32 $0x2  }
0x20: {  	s6 =	simm.s32 $0x4;
	s26 =	simm.s32 $0x3C0;
	s13 =	simm.s32 $0x3  }
0x21: {  	s7 =	simm.s32 $0x5;
	s12 =	simm.s32 $0x6;
	p1 =	sne.s32 s0, $0x1  }
.Ltmp0:
0x22: {  	s25 =	simm.s32 $0xB40;
	s24 =	simm.s32 $0xC80;
	(pc) =	sbr.rel @!p1 .LBB2_1-.Ltmp0, $4  }
0x23: {  	s22 =	simm.s32 $0xF00;
	s21 =	simm.s32 $0x1040;
	s20 =	simm.s32 $0x1180  }
0x24: {  	s19 =	simm.s32 $0x12C0;
	s18 =	simm.s32 $0x1400;
	s17 =	simm.s32 $0x1540  }
0x25: {  	s16 =	simm.s32 $0x1680;
	s15 =	simm.s32 $0x17C0;
	[dreg:$0x1a] =	wrdreg s26  }
0x26: {  	s26 =	simm.s32 $0xA00;
	s1 =	sadd.s32 $0xFFFFFFFF, s0;
	s0 =	rddreg [dreg:$0x4]  }
0x27: {  	[tilespmem:s2], [sflag:$0x7] =	stream.linear.gather [hbm4b:s0+s2], $0x1900, $0x38;
	[tilespmem:$0x1F900] =	vst v63  }
0x28: {  	_ =	swait.ge [sflag:s31], $0x1900  }
0x29: {  	[sflag:s31] =	ssyncset.done $0x0  }
0x2a: {  	[sflag:s31] =	ssyncadd.s32 $0xFFFFE700  }
0x2b: {  	[tilespmem:s5], [sflag:$0x1] =	stream.indirect.gather [hbm4b:s3+s9], $0x80, s2, s9, $0xb8;
	[tilespmem:$0x1F900] =	vst v63  }
0x2c: {  	_ = 	snop  }
0x2d: {  	[tilespmem:s4], [sflag:$0x2] =	stream.indirect.gather [hbm4b:s3+s9], $0x80, s9, s9, $0xb8;
	[tilespmem:$0x1F900] =	vst v63  }
0x2e: {  	_ =	swait.ge [sflag:s10], $0xA000  }
0x2f: {  	[sflag:s10] =	ssyncset.done $0x0  }
0x30: {  	s0 =	rddreg [dreg:$0x19];
	[sflag:s10] =	ssyncadd.s32 $0xFFFF6000  }
0x31: {  	[tilespmem:s11], [sflag:$0x3] =	stream.indirect.gather [hbm4b:s3+s9], $0x80, s0, s9, $0xb8;
	[tilespmem:$0x1F900] =	vst v63  }
0x32: {  	s14 =	smov.u32 s1;
	s1 =	rddreg [dreg:$0x5]  }
0x33: {  	[hbm4b:s1+s2] =	stream.linear.scatter [tilespmem:s5], [sflag:$0x4], $0xA000, $0x38;
	[tilespmem:$0x1F900] =	vst v63  }
0x34: {  	_ =	swait.ge [sflag:s8], $0xA000  }
0x35: {  	[sflag:s8] =	ssyncset.done $0x0  }
0x36: {  	[sflag:s8] =	ssyncadd.s32 $0xFFFF6000  }
0x37: {  	_ =	swait.ge [sflag:s6], $0xA000  }
0x38: {  	[sflag:s6] =	ssyncset.done $0x0  }
0x39: {  	s0 =	rddreg [dreg:$0x1a];
	[sflag:s6] =	ssyncadd.s32 $0xFFFF6000  }
0x3a: {  	[tilespmem:s5], [sflag:$0x1] =	stream.indirect.gather [hbm4b:s3+s9], $0x80, s0, s9, $0xb8;
	[tilespmem:$0x1F900] =	vst v63  }
0x3b: {  	s1 =	rddreg [dreg:$0x6]  }
0x3c: {  	[hbm4b:s1+s2] =	stream.linear.scatter [tilespmem:s4], [sflag:$0x5], $0xA000, $0x38;
	[tilespmem:$0x1F900] =	vst v63  }
0x3d: {  	_ =	swait.ge [sflag:s13], $0xA000  }
0x3e: {  	[sflag:s13] =	ssyncset.done $0x0  }
0x3f: {  	[sflag:s13] =	ssyncadd.s32 $0xFFFF6000  }
0x40: {  	_ =	swait.ge [sflag:s7], $0xA000  }
0x41: {  	[sflag:s7] =	ssyncset.done $0x0  }
0x42: {  	s1 =	simm.s32 $0x500;
	[sflag:s7] =	ssyncadd.s32 $0xFFFF6000  }
0x43: {  	[tilespmem:s4], [sflag:$0x2] =	stream.indirect.gather [hbm4b:s3+s9], $0x80, s1, s9, $0xb8;
	[tilespmem:$0x1F900] =	vst v63  }
0x44: {  	s0 =	rddreg [dreg:$0x7]  }
0x45: {  	[hbm4b:s0+s2] =	stream.linear.scatter [tilespmem:s11], [sflag:$0x6], $0xA000, $0x38;
	[tilespmem:$0x1F900] =	vst v63  }
0x46: {  	_ =	swait.ge [sflag:s10], $0xA000  }
0x47: {  	[sflag:s10] =	ssyncset.done $0x0  }
0x48: {  	[sflag:s10] =	ssyncadd.s32 $0xFFFF6000  }
0x49: {  	_ =	swait.ge [sflag:s12], $0xA000  }
0x4a: {  	[sflag:s12] =	ssyncset.done $0x0  }
0x4b: {  	[sflag:s12] =	ssyncadd.s32 $0xFFFF6000  }
0x4c: {  	[tilespmem:s11], [sflag:$0x3] =	stream.indirect.gather [hbm4b:s3+s9], $0x80, s30, s9, $0xb8;
	[tilespmem:$0x1F900] =	vst v63  }
0x4d: {  	s1 =	rddreg [dreg:$0x8]  }
0x4e: {  	[hbm4b:s1+s2] =	stream.linear.scatter [tilespmem:s5], [sflag:$0x4], $0xA000, $0x38;
	[tilespmem:$0x1F900] =	vst v63  }
0x4f: {  	_ =	swait.ge [sflag:s8], $0xA000  }
0x50: {  	[sflag:s8] =	ssyncset.done $0x0  }
0x51: {  	[sflag:s8] =	ssyncadd.s32 $0xFFFF6000  }
0x52: {  	_ =	swait.ge [sflag:s6], $0xA000  }
0x53: {  	[sflag:s6] =	ssyncset.done $0x0  }
0x54: {  	[sflag:s6] =	ssyncadd.s32 $0xFFFF6000  }
0x55: {  	[tilespmem:s5], [sflag:$0x1] =	stream.indirect.gather [hbm4b:s3+s9], $0x80, s29, s9, $0xb8;
	[tilespmem:$0x1F900] =	vst v63  }
0x56: {  	s1 =	rddreg [dreg:$0x9]  }
0x57: {  	[hbm4b:s1+s2] =	stream.linear.scatter [tilespmem:s4], [sflag:$0x5], $0xA000, $0x38;
	[tilespmem:$0x1F900] =	vst v63  }
0x58: {  	_ =	swait.ge [sflag:s13], $0xA000  }
0x59: {  	[sflag:s13] =	ssyncset.done $0x0  }
0x5a: {  	[sflag:s13] =	ssyncadd.s32 $0xFFFF6000  }
0x5b: {  	_ =	swait.ge [sflag:s7], $0xA000  }
0x5c: {  	[sflag:s7] =	ssyncset.done $0x0  }
0x5d: {  	[sflag:s7] =	ssyncadd.s32 $0xFFFF6000  }
0x5e: {  	[tilespmem:s4], [sflag:$0x2] =	stream.indirect.gather [hbm4b:s3+s9], $0x80, s28, s9, $0xb8;
	[tilespmem:$0x1F900] =	vst v63  }
0x5f: {  	s1 =	rddreg [dreg:$0xa]  }
0x60: {  	[hbm4b:s1+s2] =	stream.linear.scatter [tilespmem:s11], [sflag:$0x6], $0xA000, $0x38;
	[tilespmem:$0x1F900] =	vst v63  }
0x61: {  	_ =	swait.ge [sflag:s10], $0xA000  }
0x62: {  	[sflag:s10] =	ssyncset.done $0x0  }
0x63: {  	[sflag:s10] =	ssyncadd.s32 $0xFFFF6000  }
0x64: {  	_ =	swait.ge [sflag:s12], $0xA000  }
0x65: {  	[sflag:s12] =	ssyncset.done $0x0  }
0x66: {  	[sflag:s12] =	ssyncadd.s32 $0xFFFF6000  }
0x67: {  	[tilespmem:s11], [sflag:$0x3] =	stream.indirect.gather [hbm4b:s3+s9], $0x80, s26, s9, $0xb8;
	[tilespmem:$0x1F900] =	vst v63  }
0x68: {  	s1 =	rddreg [dreg:$0xb]  }
0x69: {  	[hbm4b:s1+s2] =	stream.linear.scatter [tilespmem:s5], [sflag:$0x4], $0xA000, $0x38;
	[tilespmem:$0x1F900] =	vst v63  }
0x6a: {  	_ =	swait.ge [sflag:s8], $0xA000  }
0x6b: {  	[sflag:s8] =	ssyncset.done $0x0  }
0x6c: {  	[sflag:s8] =	ssyncadd.s32 $0xFFFF6000  }
0x6d: {  	_ =	swait.ge [sflag:s6], $0xA000  }
0x6e: {  	[sflag:s6] =	ssyncset.done $0x0  }
0x6f: {  	[sflag:s6] =	ssyncadd.s32 $0xFFFF6000  }
0x70: {  	[tilespmem:s5], [sflag:$0x1] =	stream.indirect.gather [hbm4b:s3+s9], $0x80, s25, s9, $0xb8;
	[tilespmem:$0x1F900] =	vst v63  }
0x71: {  	s1 =	rddreg [dreg:$0xc]  }
0x72: {  	[hbm4b:s1+s2] =	stream.linear.scatter [tilespmem:s4], [sflag:$0x5], $0xA000, $0x38;
	[tilespmem:$0x1F900] =	vst v63  }
0x73: {  	_ =	swait.ge [sflag:s13], $0xA000  }
0x74: {  	[sflag:s13] =	ssyncset.done $0x0  }
0x75: {  	[sflag:s13] =	ssyncadd.s32 $0xFFFF6000  }
0x76: {  	_ =	swait.ge [sflag:s7], $0xA000  }
0x77: {  	[sflag:s7] =	ssyncset.done $0x0  }
0x78: {  	[sflag:s7] =	ssyncadd.s32 $0xFFFF6000  }
0x79: {  	[tilespmem:s4], [sflag:$0x2] =	stream.indirect.gather [hbm4b:s3+s9], $0x80, s24, s9, $0xb8;
	[tilespmem:$0x1F900] =	vst v63  }
0x7a: {  	s1 =	rddreg [dreg:$0xd]  }
0x7b: {  	[hbm4b:s1+s2] =	stream.linear.scatter [tilespmem:s11], [sflag:$0x6], $0xA000, $0x38;
	[tilespmem:$0x1F900] =	vst v63  }
0x7c: {  	_ =	swait.ge [sflag:s10], $0xA000  }
0x7d: {  	[sflag:s10] =	ssyncset.done $0x0  }
0x7e: {  	[sflag:s10] =	ssyncadd.s32 $0xFFFF6000  }
0x7f: {  	_ =	swait.ge [sflag:s12], $0xA000  }
0x80: {  	[sflag:s12] =	ssyncset.done $0x0  }
0x81: {  	[sflag:s12] =	ssyncadd.s32 $0xFFFF6000  }
0x82: {  	[tilespmem:s11], [sflag:$0x3] =	stream.indirect.gather [hbm4b:s3+s9], $0x80, s23, s9, $0xb8;
	[tilespmem:$0x1F900] =	vst v63  }
0x83: {  	s1 =	rddreg [dreg:$0xe]  }
0x84: {  	[hbm4b:s1+s2] =	stream.linear.scatter [tilespmem:s5], [sflag:$0x4], $0xA000, $0x38;
	[tilespmem:$0x1F900] =	vst v63  }
0x85: {  	_ =	swait.ge [sflag:s8], $0xA000  }
0x86: {  	[sflag:s8] =	ssyncset.done $0x0  }
0x87: {  	[sflag:s8] =	ssyncadd.s32 $0xFFFF6000  }
0x88: {  	_ =	swait.ge [sflag:s6], $0xA000  }
0x89: {  	[sflag:s6] =	ssyncset.done $0x0  }
0x8a: {  	[sflag:s6] =	ssyncadd.s32 $0xFFFF6000  }
0x8b: {  	[tilespmem:s5], [sflag:$0x1] =	stream.indirect.gather [hbm4b:s3+s9], $0x80, s22, s9, $0xb8;
	[tilespmem:$0x1F900] =	vst v63  }
0x8c: {  	s1 =	rddreg [dreg:$0xf]  }
0x8d: {  	[hbm4b:s1+s2] =	stream.linear.scatter [tilespmem:s4], [sflag:$0x5], $0xA000, $0x38;
	[tilespmem:$0x1F900] =	vst v63  }
0x8e: {  	_ =	swait.ge [sflag:s13], $0xA000  }
0x8f: {  	[sflag:s13] =	ssyncset.done $0x0  }
0x90: {  	[sflag:s13] =	ssyncadd.s32 $0xFFFF6000  }
0x91: {  	_ =	swait.ge [sflag:s7], $0xA000  }
0x92: {  	[sflag:s7] =	ssyncset.done $0x0  }
0x93: {  	[sflag:s7] =	ssyncadd.s32 $0xFFFF6000  }
0x94: {  	[tilespmem:s4], [sflag:$0x2] =	stream.indirect.gather [hbm4b:s3+s9], $0x80, s21, s9, $0xb8;
	[tilespmem:$0x1F900] =	vst v63  }
0x95: {  	s1 =	rddreg [dreg:$0x10]  }
0x96: {  	[hbm4b:s1+s2] =	stream.linear.scatter [tilespmem:s11], [sflag:$0x6], $0xA000, $0x38;
	[tilespmem:$0x1F900] =	vst v63  }
0x97: {  	_ =	swait.ge [sflag:s10], $0xA000  }
0x98: {  	[sflag:s10] =	ssyncset.done $0x0  }
0x99: {  	[sflag:s10] =	ssyncadd.s32 $0xFFFF6000  }
0x9a: {  	_ =	swait.ge [sflag:s12], $0xA000  }
0x9b: {  	[sflag:s12] =	ssyncset.done $0x0  }
0x9c: {  	[sflag:s12] =	ssyncadd.s32 $0xFFFF6000  }
0x9d: {  	[tilespmem:s11], [sflag:$0x3] =	stream.indirect.gather [hbm4b:s3+s9], $0x80, s20, s9, $0xb8;
	[tilespmem:$0x1F900] =	vst v63  }
0x9e: {  	s1 =	rddreg [dreg:$0x11]  }
0x9f: {  	[hbm4b:s1+s2] =	stream.linear.scatter [tilespmem:s5], [sflag:$0x4], $0xA000, $0x38;
	[tilespmem:$0x1F900] =	vst v63  }
0xa0: {  	_ =	swait.ge [sflag:s8], $0xA000  }
0xa1: {  	[sflag:s8] =	ssyncset.done $0x0  }
0xa2: {  	[sflag:s8] =	ssyncadd.s32 $0xFFFF6000  }
0xa3: {  	_ =	swait.ge [sflag:s6], $0xA000  }
0xa4: {  	[sflag:s6] =	ssyncset.done $0x0  }
0xa5: {  	[sflag:s6] =	ssyncadd.s32 $0xFFFF6000  }
0xa6: {  	[tilespmem:s5], [sflag:$0x1] =	stream.indirect.gather [hbm4b:s3+s9], $0x80, s19, s9, $0xb8;
	[tilespmem:$0x1F900] =	vst v63  }
0xa7: {  	s1 =	rddreg [dreg:$0x12]  }
0xa8: {  	[hbm4b:s1+s2] =	stream.linear.scatter [tilespmem:s4], [sflag:$0x5], $0xA000, $0x38;
	[tilespmem:$0x1F900] =	vst v63  }
0xa9: {  	_ =	swait.ge [sflag:s13], $0xA000  }
0xaa: {  	[sflag:s13] =	ssyncset.done $0x0  }
0xab: {  	[sflag:s13] =	ssyncadd.s32 $0xFFFF6000  }
0xac: {  	_ =	swait.ge [sflag:s7], $0xA000  }
0xad: {  	[sflag:s7] =	ssyncset.done $0x0  }
0xae: {  	[sflag:s7] =	ssyncadd.s32 $0xFFFF6000  }
0xaf: {  	[tilespmem:s4], [sflag:$0x2] =	stream.indirect.gather [hbm4b:s3+s9], $0x80, s18, s9, $0xb8;
	[tilespmem:$0x1F900] =	vst v63  }
0xb0: {  	s1 =	rddreg [dreg:$0x13]  }
0xb1: {  	[hbm4b:s1+s2] =	stream.linear.scatter [tilespmem:s11], [sflag:$0x6], $0xA000, $0x38;
	[tilespmem:$0x1F900] =	vst v63  }
0xb2: {  	_ =	swait.ge [sflag:s10], $0xA000  }
0xb3: {  	[sflag:s10] =	ssyncset.done $0x0  }
0xb4: {  	[sflag:s10] =	ssyncadd.s32 $0xFFFF6000  }
0xb5: {  	_ =	swait.ge [sflag:s12], $0xA000  }
0xb6: {  	[sflag:s12] =	ssyncset.done $0x0  }
0xb7: {  	[sflag:s12] =	ssyncadd.s32 $0xFFFF6000  }
0xb8: {  	[tilespmem:s11], [sflag:$0x3] =	stream.indirect.gather [hbm4b:s3+s9], $0x80, s17, s9, $0xb8;
	[tilespmem:$0x1F900] =	vst v63  }
0xb9: {  	s1 =	rddreg [dreg:$0x14]  }
0xba: {  	[hbm4b:s1+s2] =	stream.linear.scatter [tilespmem:s5], [sflag:$0x4], $0xA000, $0x38;
	[tilespmem:$0x1F900] =	vst v63  }
0xbb: {  	_ =	swait.ge [sflag:s8], $0xA000  }
0xbc: {  	[sflag:s8] =	ssyncset.done $0x0  }
0xbd: {  	[sflag:s8] =	ssyncadd.s32 $0xFFFF6000  }
0xbe: {  	_ =	swait.ge [sflag:s6], $0xA000  }
0xbf: {  	[sflag:s6] =	ssyncset.done $0x0  }
0xc0: {  	[sflag:s6] =	ssyncadd.s32 $0xFFFF6000  }
0xc1: {  	[tilespmem:s5], [sflag:$0x1] =	stream.indirect.gather [hbm4b:s3+s9], $0x80, s16, s9, $0xb8;
	[tilespmem:$0x1F900] =	vst v63  }
0xc2: {  	s1 =	rddreg [dreg:$0x15]  }
0xc3: {  	[hbm4b:s1+s2] =	stream.linear.scatter [tilespmem:s4], [sflag:$0x5], $0xA000, $0x38;
	[tilespmem:$0x1F900] =	vst v63  }
0xc4: {  	_ =	swait.ge [sflag:s13], $0xA000  }
0xc5: {  	[sflag:s13] =	ssyncset.done $0x0  }
0xc6: {  	[sflag:s13] =	ssyncadd.s32 $0xFFFF6000  }
0xc7: {  	_ =	swait.ge [sflag:s7], $0xA000  }
0xc8: {  	[sflag:s7] =	ssyncset.done $0x0  }
0xc9: {  	[sflag:s7] =	ssyncadd.s32 $0xFFFF6000  }
0xca: {  	[tilespmem:s4], [sflag:$0x2] =	stream.indirect.gather [hbm4b:s3+s9], $0x80, s15, s9, $0xb8;
	[tilespmem:$0x1F900] =	vst v63  }
0xcb: {  	s1 =	rddreg [dreg:$0x16]  }
0xcc: {  	[hbm4b:s1+s2] =	stream.linear.scatter [tilespmem:s11], [sflag:$0x6], $0xA000, $0x38;
	[tilespmem:$0x1F900] =	vst v63  }
0xcd: {  	_ =	swait.ge [sflag:s10], $0xA000  }
0xce: {  	[sflag:s10] =	ssyncset.done $0x0  }
0xcf: {  	[sflag:s10] =	ssyncadd.s32 $0xFFFF6000  }
0xd0: {  	_ =	swait.ge [sflag:s12], $0xA000  }
0xd1: {  	[sflag:s12] =	ssyncset.done $0x0  }
0xd2: {  	s1 =	rddreg [dreg:$0x17];
	[sflag:s12] =	ssyncadd.s32 $0xFFFF6000  }
0xd3: {  	[hbm4b:s1+s2] =	stream.linear.scatter [tilespmem:s5], [sflag:$0x4], $0xA000, $0x38;
	[tilespmem:$0x1F900] =	vst v63  }
0xd4: {  	_ =	swait.ge [sflag:s8], $0xA000  }
0xd5: {  	[sflag:s8] =	ssyncset.done $0x0  }
0xd6: {  	[sflag:s8] =	ssyncadd.s32 $0xFFFF6000  }
0xd7: {  	p1 =	sne.s32 s14, $0x1;
	_ =	swait.ge [sflag:s6], $0xA000  }
.Ltmp1:
0xd8: {  	[sflag:s6] =	ssyncset.done $0x0;
	(pc) =	sbr.rel @!p1 .LBB2_3-.Ltmp1, $4  }
0xd9: {  	s1 =	rddreg [dreg:$0x18];
	[sflag:s6] =	ssyncadd.s32 $0xFFFF6000  }
0xda: {  	[hbm4b:s1+s2] =	stream.linear.scatter [tilespmem:s4], [sflag:$0x5], $0xA000, $0x38;
	[tilespmem:$0x1F900] =	vst v63  }
0xdb: {  	p0 =	por $0x1, $0x1;
	_ =	swait.ge [sflag:s7], $0xA000  }
0xdc: {  	s1 =	sadd.s32 $0xFFFFFFFF, s14;
	s0 =	rddreg [dreg:$0x4];
	[sflag:s7] =	ssyncset.done $0x0  }
.LBB2_4:
0xdd: {  	[sflag:s7] =	ssyncadd.s32 $0xFFFF6000  }
0xde: {  	[tilespmem:s2], [sflag:$0x7] =	stream.linear.gather [hbm4b:s0+s2], $0x1900, $0x38;
	[tilespmem:$0x1F900] =	vst v63  }
0xdf: {  	_ =	swait.ge [sflag:s31], $0x1900  }
0xe0: {  	[sflag:s31] =	ssyncset.done $0x0  }
0xe1: {  	[sflag:s31] =	ssyncadd.s32 $0xFFFFE700  }
0xe2: {  	[tilespmem:s5], [sflag:$0x1] =	stream.indirect.gather [hbm4b:s3+s9], $0x80, s2, s9, $0xb8;
	[tilespmem:$0x1F900] =	vst v63  }
0xe3: {  	_ = 	snop  }
0xe4: {  	[tilespmem:s4], [sflag:$0x2] =	stream.indirect.gather [hbm4b:s3+s9], $0x80, s9, s9, $0xb8;
	[tilespmem:$0x1F900] =	vst v63  }
0xe5: {  	_ =	swait.ge [sflag:s10], $0xA000  }
0xe6: {  	[sflag:s10] =	ssyncset.done $0x0  }
0xe7: {  	s0 =	rddreg [dreg:$0x19];
	[sflag:s10] =	ssyncadd.s32 $0xFFFF6000  }
0xe8: {  	[tilespmem:s11], [sflag:$0x3] =	stream.indirect.gather [hbm4b:s3+s9], $0x80, s0, s9, $0xb8;
	[tilespmem:$0x1F900] =	vst v63  }
0xe9: {  	s14 =	rddreg [dreg:$0x5]  }
0xea: {  	[hbm4b:s14+s2] =	stream.linear.scatter [tilespmem:s5], [sflag:$0x4], $0xA000, $0x38;
	[tilespmem:$0x1F900] =	vst v63  }
0xeb: {  	_ =	swait.ge [sflag:s8], $0xA000  }
0xec: {  	[sflag:s8] =	ssyncset.done $0x0  }
0xed: {  	[sflag:s8] =	ssyncadd.s32 $0xFFFF6000  }
0xee: {  	_ =	swait.ge [sflag:s6], $0xA000  }
0xef: {  	[sflag:s6] =	ssyncset.done $0x0  }
0xf0: {  	s0 =	rddreg [dreg:$0x1a];
	[sflag:s6] =	ssyncadd.s32 $0xFFFF6000  }
0xf1: {  	[tilespmem:s5], [sflag:$0x1] =	stream.indirect.gather [hbm4b:s3+s9], $0x80, s0, s9, $0xb8;
	[tilespmem:$0x1F900] =	vst v63  }
0xf2: {  	s14 =	rddreg [dreg:$0x6]  }
0xf3: {  	[hbm4b:s14+s2] =	stream.linear.scatter [tilespmem:s4], [sflag:$0x5], $0xA000, $0x38;
	[tilespmem:$0x1F900] =	vst v63  }
0xf4: {  	_ =	swait.ge [sflag:s13], $0xA000  }
0xf5: {  	[sflag:s13] =	ssyncset.done $0x0  }
0xf6: {  	[sflag:s13] =	ssyncadd.s32 $0xFFFF6000  }
0xf7: {  	_ =	swait.ge [sflag:s7], $0xA000  }
0xf8: {  	[sflag:s7] =	ssyncset.done $0x0  }
0xf9: {  	s14 =	simm.s32 $0x500;
	[sflag:s7] =	ssyncadd.s32 $0xFFFF6000  }
0xfa: {  	[tilespmem:s4], [sflag:$0x2] =	stream.indirect.gather [hbm4b:s3+s9], $0x80, s14, s9, $0xb8;
	[tilespmem:$0x1F900] =	vst v63  }
0xfb: {  	s0 =	rddreg [dreg:$0x7]  }
0xfc: {  	[hbm4b:s0+s2] =	stream.linear.scatter [tilespmem:s11], [sflag:$0x6], $0xA000, $0x38;
	[tilespmem:$0x1F900] =	vst v63  }
0xfd: {  	_ =	swait.ge [sflag:s10], $0xA000  }
0xfe: {  	[sflag:s10] =	ssyncset.done $0x0  }
0xff: {  	[sflag:s10] =	ssyncadd.s32 $0xFFFF6000  }
0x100: {  	_ =	swait.ge [sflag:s12], $0xA000  }
0x101: {  	[sflag:s12] =	ssyncset.done $0x0  }
0x102: {  	[sflag:s12] =	ssyncadd.s32 $0xFFFF6000  }
0x103: {  	[tilespmem:s11], [sflag:$0x3] =	stream.indirect.gather [hbm4b:s3+s9], $0x80, s30, s9, $0xb8;
	[tilespmem:$0x1F900] =	vst v63  }
0x104: {  	s14 =	rddreg [dreg:$0x8]  }
0x105: {  	[hbm4b:s14+s2] =	stream.linear.scatter [tilespmem:s5], [sflag:$0x4], $0xA000, $0x38;
	[tilespmem:$0x1F900] =	vst v63  }
0x106: {  	_ =	swait.ge [sflag:s8], $0xA000  }
0x107: {  	[sflag:s8] =	ssyncset.done $0x0  }
0x108: {  	[sflag:s8] =	ssyncadd.s32 $0xFFFF6000  }
0x109: {  	_ =	swait.ge [sflag:s6], $0xA000  }
0x10a: {  	[sflag:s6] =	ssyncset.done $0x0  }
0x10b: {  	[sflag:s6] =	ssyncadd.s32 $0xFFFF6000  }
0x10c: {  	[tilespmem:s5], [sflag:$0x1] =	stream.indirect.gather [hbm4b:s3+s9], $0x80, s29, s9, $0xb8;
	[tilespmem:$0x1F900] =	vst v63  }
0x10d: {  	s14 =	rddreg [dreg:$0x9]  }
0x10e: {  	[hbm4b:s14+s2] =	stream.linear.scatter [tilespmem:s4], [sflag:$0x5], $0xA000, $0x38;
	[tilespmem:$0x1F900] =	vst v63  }
0x10f: {  	_ =	swait.ge [sflag:s13], $0xA000  }
0x110: {  	[sflag:s13] =	ssyncset.done $0x0  }
0x111: {  	[sflag:s13] =	ssyncadd.s32 $0xFFFF6000  }
0x112: {  	_ =	swait.ge [sflag:s7], $0xA000  }
0x113: {  	[sflag:s7] =	ssyncset.done $0x0  }
0x114: {  	[sflag:s7] =	ssyncadd.s32 $0xFFFF6000  }
0x115: {  	[tilespmem:s4], [sflag:$0x2] =	stream.indirect.gather [hbm4b:s3+s9], $0x80, s28, s9, $0xb8;
	[tilespmem:$0x1F900] =	vst v63  }
0x116: {  	s14 =	rddreg [dreg:$0xa]  }
0x117: {  	[hbm4b:s14+s2] =	stream.linear.scatter [tilespmem:s11], [sflag:$0x6], $0xA000, $0x38;
	[tilespmem:$0x1F900] =	vst v63  }
0x118: {  	_ =	swait.ge [sflag:s10], $0xA000  }
0x119: {  	[sflag:s10] =	ssyncset.done $0x0  }
0x11a: {  	[sflag:s10] =	ssyncadd.s32 $0xFFFF6000  }
0x11b: {  	_ =	swait.ge [sflag:s12], $0xA000  }
0x11c: {  	[sflag:s12] =	ssyncset.done $0x0  }
0x11d: {  	[sflag:s12] =	ssyncadd.s32 $0xFFFF6000  }
0x11e: {  	[tilespmem:s11], [sflag:$0x3] =	stream.indirect.gather [hbm4b:s3+s9], $0x80, s26, s9, $0xb8;
	[tilespmem:$0x1F900] =	vst v63  }
0x11f: {  	s14 =	rddreg [dreg:$0xb]  }
0x120: {  	[hbm4b:s14+s2] =	stream.linear.scatter [tilespmem:s5], [sflag:$0x4], $0xA000, $0x38;
	[tilespmem:$0x1F900] =	vst v63  }
0x121: {  	_ =	swait.ge [sflag:s8], $0xA000  }
0x122: {  	[sflag:s8] =	ssyncset.done $0x0  }
0x123: {  	[sflag:s8] =	ssyncadd.s32 $0xFFFF6000  }
0x124: {  	_ =	swait.ge [sflag:s6], $0xA000  }
0x125: {  	[sflag:s6] =	ssyncset.done $0x0  }
0x126: {  	[sflag:s6] =	ssyncadd.s32 $0xFFFF6000  }
0x127: {  	[tilespmem:s5], [sflag:$0x1] =	stream.indirect.gather [hbm4b:s3+s9], $0x80, s25, s9, $0xb8;
	[tilespmem:$0x1F900] =	vst v63  }
0x128: {  	s14 =	rddreg [dreg:$0xc]  }
0x129: {  	[hbm4b:s14+s2] =	stream.linear.scatter [tilespmem:s4], [sflag:$0x5], $0xA000, $0x38;
	[tilespmem:$0x1F900] =	vst v63  }
0x12a: {  	_ =	swait.ge [sflag:s13], $0xA000  }
0x12b: {  	[sflag:s13] =	ssyncset.done $0x0  }
0x12c: {  	[sflag:s13] =	ssyncadd.s32 $0xFFFF6000  }
0x12d: {  	_ =	swait.ge [sflag:s7], $0xA000  }
0x12e: {  	[sflag:s7] =	ssyncset.done $0x0  }
0x12f: {  	[sflag:s7] =	ssyncadd.s32 $0xFFFF6000  }
0x130: {  	[tilespmem:s4], [sflag:$0x2] =	stream.indirect.gather [hbm4b:s3+s9], $0x80, s24, s9, $0xb8;
	[tilespmem:$0x1F900] =	vst v63  }
0x131: {  	s14 =	rddreg [dreg:$0xd]  }
0x132: {  	[hbm4b:s14+s2] =	stream.linear.scatter [tilespmem:s11], [sflag:$0x6], $0xA000, $0x38;
	[tilespmem:$0x1F900] =	vst v63  }
0x133: {  	_ =	swait.ge [sflag:s10], $0xA000  }
0x134: {  	[sflag:s10] =	ssyncset.done $0x0  }
0x135: {  	[sflag:s10] =	ssyncadd.s32 $0xFFFF6000  }
0x136: {  	_ =	swait.ge [sflag:s12], $0xA000  }
0x137: {  	[sflag:s12] =	ssyncset.done $0x0  }
0x138: {  	[sflag:s12] =	ssyncadd.s32 $0xFFFF6000  }
0x139: {  	[tilespmem:s11], [sflag:$0x3] =	stream.indirect.gather [hbm4b:s3+s9], $0x80, s23, s9, $0xb8;
	[tilespmem:$0x1F900] =	vst v63  }
0x13a: {  	s14 =	rddreg [dreg:$0xe]  }
0x13b: {  	[hbm4b:s14+s2] =	stream.linear.scatter [tilespmem:s5], [sflag:$0x4], $0xA000, $0x38;
	[tilespmem:$0x1F900] =	vst v63  }
0x13c: {  	_ =	swait.ge [sflag:s8], $0xA000  }
0x13d: {  	[sflag:s8] =	ssyncset.done $0x0  }
0x13e: {  	[sflag:s8] =	ssyncadd.s32 $0xFFFF6000  }
0x13f: {  	_ =	swait.ge [sflag:s6], $0xA000  }
0x140: {  	[sflag:s6] =	ssyncset.done $0x0  }
0x141: {  	[sflag:s6] =	ssyncadd.s32 $0xFFFF6000  }
0x142: {  	[tilespmem:s5], [sflag:$0x1] =	stream.indirect.gather [hbm4b:s3+s9], $0x80, s22, s9, $0xb8;
	[tilespmem:$0x1F900] =	vst v63  }
0x143: {  	s14 =	rddreg [dreg:$0xf]  }
0x144: {  	[hbm4b:s14+s2] =	stream.linear.scatter [tilespmem:s4], [sflag:$0x5], $0xA000, $0x38;
	[tilespmem:$0x1F900] =	vst v63  }
0x145: {  	_ =	swait.ge [sflag:s13], $0xA000  }
0x146: {  	[sflag:s13] =	ssyncset.done $0x0  }
0x147: {  	[sflag:s13] =	ssyncadd.s32 $0xFFFF6000  }
0x148: {  	_ =	swait.ge [sflag:s7], $0xA000  }
0x149: {  	[sflag:s7] =	ssyncset.done $0x0  }
0x14a: {  	[sflag:s7] =	ssyncadd.s32 $0xFFFF6000  }
0x14b: {  	[tilespmem:s4], [sflag:$0x2] =	stream.indirect.gather [hbm4b:s3+s9], $0x80, s21, s9, $0xb8;
	[tilespmem:$0x1F900] =	vst v63  }
0x14c: {  	s14 =	rddreg [dreg:$0x10]  }
0x14d: {  	[hbm4b:s14+s2] =	stream.linear.scatter [tilespmem:s11], [sflag:$0x6], $0xA000, $0x38;
	[tilespmem:$0x1F900] =	vst v63  }
0x14e: {  	_ =	swait.ge [sflag:s10], $0xA000  }
0x14f: {  	[sflag:s10] =	ssyncset.done $0x0  }
0x150: {  	[sflag:s10] =	ssyncadd.s32 $0xFFFF6000  }
0x151: {  	_ =	swait.ge [sflag:s12], $0xA000  }
0x152: {  	[sflag:s12] =	ssyncset.done $0x0  }
0x153: {  	[sflag:s12] =	ssyncadd.s32 $0xFFFF6000  }
0x154: {  	[tilespmem:s11], [sflag:$0x3] =	stream.indirect.gather [hbm4b:s3+s9], $0x80, s20, s9, $0xb8;
	[tilespmem:$0x1F900] =	vst v63  }
0x155: {  	s14 =	rddreg [dreg:$0x11]  }
0x156: {  	[hbm4b:s14+s2] =	stream.linear.scatter [tilespmem:s5], [sflag:$0x4], $0xA000, $0x38;
	[tilespmem:$0x1F900] =	vst v63  }
0x157: {  	_ =	swait.ge [sflag:s8], $0xA000  }
0x158: {  	[sflag:s8] =	ssyncset.done $0x0  }
0x159: {  	[sflag:s8] =	ssyncadd.s32 $0xFFFF6000  }
0x15a: {  	_ =	swait.ge [sflag:s6], $0xA000  }
0x15b: {  	[sflag:s6] =	ssyncset.done $0x0  }
0x15c: {  	[sflag:s6] =	ssyncadd.s32 $0xFFFF6000  }
0x15d: {  	[tilespmem:s5], [sflag:$0x1] =	stream.indirect.gather [hbm4b:s3+s9], $0x80, s19, s9, $0xb8;
	[tilespmem:$0x1F900] =	vst v63  }
0x15e: {  	s14 =	rddreg [dreg:$0x12]  }
0x15f: {  	[hbm4b:s14+s2] =	stream.linear.scatter [tilespmem:s4], [sflag:$0x5], $0xA000, $0x38;
	[tilespmem:$0x1F900] =	vst v63  }
0x160: {  	_ =	swait.ge [sflag:s13], $0xA000  }
0x161: {  	[sflag:s13] =	ssyncset.done $0x0  }
0x162: {  	[sflag:s13] =	ssyncadd.s32 $0xFFFF6000  }
0x163: {  	_ =	swait.ge [sflag:s7], $0xA000  }
0x164: {  	[sflag:s7] =	ssyncset.done $0x0  }
0x165: {  	[sflag:s7] =	ssyncadd.s32 $0xFFFF6000  }
0x166: {  	[tilespmem:s4], [sflag:$0x2] =	stream.indirect.gather [hbm4b:s3+s9], $0x80, s18, s9, $0xb8;
	[tilespmem:$0x1F900] =	vst v63  }
0x167: {  	s14 =	rddreg [dreg:$0x13]  }
0x168: {  	[hbm4b:s14+s2] =	stream.linear.scatter [tilespmem:s11], [sflag:$0x6], $0xA000, $0x38;
	[tilespmem:$0x1F900] =	vst v63  }
0x169: {  	_ =	swait.ge [sflag:s10], $0xA000  }
0x16a: {  	[sflag:s10] =	ssyncset.done $0x0  }
0x16b: {  	[sflag:s10] =	ssyncadd.s32 $0xFFFF6000  }
0x16c: {  	_ =	swait.ge [sflag:s12], $0xA000  }
0x16d: {  	[sflag:s12] =	ssyncset.done $0x0  }
0x16e: {  	[sflag:s12] =	ssyncadd.s32 $0xFFFF6000  }
0x16f: {  	[tilespmem:s11], [sflag:$0x3] =	stream.indirect.gather [hbm4b:s3+s9], $0x80, s17, s9, $0xb8;
	[tilespmem:$0x1F900] =	vst v63  }
0x170: {  	s14 =	rddreg [dreg:$0x14]  }
0x171: {  	[hbm4b:s14+s2] =	stream.linear.scatter [tilespmem:s5], [sflag:$0x4], $0xA000, $0x38;
	[tilespmem:$0x1F900] =	vst v63  }
0x172: {  	_ =	swait.ge [sflag:s8], $0xA000  }
0x173: {  	[sflag:s8] =	ssyncset.done $0x0  }
0x174: {  	[sflag:s8] =	ssyncadd.s32 $0xFFFF6000  }
0x175: {  	_ =	swait.ge [sflag:s6], $0xA000  }
0x176: {  	[sflag:s6] =	ssyncset.done $0x0  }
0x177: {  	[sflag:s6] =	ssyncadd.s32 $0xFFFF6000  }
0x178: {  	[tilespmem:s5], [sflag:$0x1] =	stream.indirect.gather [hbm4b:s3+s9], $0x80, s16, s9, $0xb8;
	[tilespmem:$0x1F900] =	vst v63  }
0x179: {  	s14 =	rddreg [dreg:$0x15]  }
0x17a: {  	[hbm4b:s14+s2] =	stream.linear.scatter [tilespmem:s4], [sflag:$0x5], $0xA000, $0x38;
	[tilespmem:$0x1F900] =	vst v63  }
0x17b: {  	_ =	swait.ge [sflag:s13], $0xA000  }
0x17c: {  	[sflag:s13] =	ssyncset.done $0x0  }
0x17d: {  	[sflag:s13] =	ssyncadd.s32 $0xFFFF6000  }
0x17e: {  	_ =	swait.ge [sflag:s7], $0xA000  }
0x17f: {  	[sflag:s7] =	ssyncset.done $0x0  }
0x180: {  	[sflag:s7] =	ssyncadd.s32 $0xFFFF6000  }
0x181: {  	[tilespmem:s4], [sflag:$0x2] =	stream.indirect.gather [hbm4b:s3+s9], $0x80, s15, s9, $0xb8;
	[tilespmem:$0x1F900] =	vst v63  }
0x182: {  	s14 =	rddreg [dreg:$0x16]  }
0x183: {  	[hbm4b:s14+s2] =	stream.linear.scatter [tilespmem:s11], [sflag:$0x6], $0xA000, $0x38;
	[tilespmem:$0x1F900] =	vst v63  }
0x184: {  	_ =	swait.ge [sflag:s10], $0xA000  }
0x185: {  	[sflag:s10] =	ssyncset.done $0x0  }
0x186: {  	[sflag:s10] =	ssyncadd.s32 $0xFFFF6000  }
0x187: {  	_ =	swait.ge [sflag:s12], $0xA000  }
0x188: {  	[sflag:s12] =	ssyncset.done $0x0  }
0x189: {  	s14 =	rddreg [dreg:$0x17];
	[sflag:s12] =	ssyncadd.s32 $0xFFFF6000  }
0x18a: {  	[hbm4b:s14+s2] =	stream.linear.scatter [tilespmem:s5], [sflag:$0x4], $0xA000, $0x38;
	[tilespmem:$0x1F900] =	vst v63  }
0x18b: {  	_ =	swait.ge [sflag:s8], $0xA000  }
0x18c: {  	[sflag:s8] =	ssyncset.done $0x0  }
0x18d: {  	[sflag:s8] =	ssyncadd.s32 $0xFFFF6000  }
0x18e: {  	p1 =	sne.s32 s1, $0x1;
	_ =	swait.ge [sflag:s6], $0xA000  }
.Ltmp2:
0x18f: {  	[sflag:s6] =	ssyncset.done $0x0;
	(pc) =	sbr.rel @p1 .LBB2_4-.Ltmp2, $4  }
0x190: {  	s14 =	rddreg [dreg:$0x18];
	[sflag:s6] =	ssyncadd.s32 $0xFFFF6000  }
0x191: {  	[hbm4b:s14+s2] =	stream.linear.scatter [tilespmem:s4], [sflag:$0x5], $0xA000, $0x38;
	[tilespmem:$0x1F900] =	vst v63  }
0x192: {  	_ =	swait.ge [sflag:s7], $0xA000  }
0x193: {  	s1 =	sadd.s32 $0xFFFFFFFF, s1;
	s0 =	rddreg [dreg:$0x4];
	[sflag:s7] =	ssyncset.done $0x0  }
0x194: {  	s15 =	simm.s32 $0x500  }
0x195: {  	s30 =	simm.s32 $0x640;
	s29 =	simm.s32 $0x780;
	s28 =	simm.s32 $0x8C0  }
0x196: {  	s26 =	simm.s32 $0xA00;
	s25 =	simm.s32 $0xB40;
	s24 =	simm.s32 $0xC80  }
0x197: {  	s23 =	simm.s32 $0xDC0;
	s22 =	simm.s32 $0xF00;
	s21 =	simm.s32 $0x1040  }
0x198: {  	s20 =	simm.s32 $0x1180;
	s19 =	simm.s32 $0x12C0;
	s18 =	simm.s32 $0x1400  }
0x199: {  	s17 =	simm.s32 $0x1540;
	s16 =	simm.s32 $0x1680;
	s14 =	stileid.u32  }
.LBB2_6:
0x19a: {  	[sflag:s7] =	ssyncadd.s32 @p0 $0xFFFF6000  }
0x19b: {  	[tilespmem:s2], [sflag:$0x7] =	stream.linear.gather [hbm4b:s0+s2], $0x1900, $0x38;
	[tilespmem:$0x1F900] =	vst v63  }
0x19c: {  	_ =	swait.ge [sflag:s31], $0x1900  }
0x19d: {  	[sflag:s31] =	ssyncset.done $0x0  }
0x19e: {  	[sflag:s31] =	ssyncadd.s32 $0xFFFFE700  }
0x19f: {  	[tilespmem:s5], [sflag:$0x1] =	stream.indirect.gather [hbm4b:s3+s9], $0x80, s2, s9, $0xb8;
	[tilespmem:$0x1F900] =	vst v63  }
0x1a0: {  	_ = 	snop  }
0x1a1: {  	[tilespmem:s4], [sflag:$0x2] =	stream.indirect.gather [hbm4b:s3+s9], $0x80, s9, s9, $0xb8;
	[tilespmem:$0x1F900] =	vst v63  }
0x1a2: {  	_ =	swait.ge [sflag:s10], $0xA000  }
0x1a3: {  	[sflag:s10] =	ssyncset.done $0x0  }
0x1a4: {  	s31 =	rddreg [dreg:$0x19];
	[sflag:s10] =	ssyncadd.s32 $0xFFFF6000  }
0x1a5: {  	[tilespmem:s11], [sflag:$0x3] =	stream.indirect.gather [hbm4b:s3+s9], $0x80, s31, s9, $0xb8;
	[tilespmem:$0x1F900] =	vst v63  }
0x1a6: {  	s1 =	rddreg [dreg:$0x5]  }
0x1a7: {  	[hbm4b:s1+s2] =	stream.linear.scatter [tilespmem:s5], [sflag:$0x4], $0xA000, $0x38;
	[tilespmem:$0x1F900] =	vst v63  }
0x1a8: {  	_ =	swait.ge [sflag:s8], $0xA000  }
0x1a9: {  	[sflag:s8] =	ssyncset.done $0x0  }
0x1aa: {  	[sflag:s8] =	ssyncadd.s32 $0xFFFF6000  }
0x1ab: {  	_ =	swait.ge [sflag:s6], $0xA000  }
0x1ac: {  	[sflag:s6] =	ssyncset.done $0x0  }
0x1ad: {  	s1 =	rddreg [dreg:$0x1a];
	[sflag:s6] =	ssyncadd.s32 $0xFFFF6000  }
0x1ae: {  	[tilespmem:s5], [sflag:$0x1] =	stream.indirect.gather [hbm4b:s3+s9], $0x80, s1, s9, $0xb8;
	[tilespmem:$0x1F900] =	vst v63  }
0x1af: {  	s31 =	rddreg [dreg:$0x6]  }
0x1b0: {  	[hbm4b:s31+s2] =	stream.linear.scatter [tilespmem:s4], [sflag:$0x5], $0xA000, $0x38;
	[tilespmem:$0x1F900] =	vst v63  }
0x1b1: {  	_ =	swait.ge [sflag:s13], $0xA000  }
0x1b2: {  	[sflag:s13] =	ssyncset.done $0x0  }
0x1b3: {  	[sflag:s13] =	ssyncadd.s32 $0xFFFF6000  }
0x1b4: {  	_ =	swait.ge [sflag:s7], $0xA000  }
0x1b5: {  	[sflag:s7] =	ssyncset.done $0x0  }
0x1b6: {  	[sflag:s7] =	ssyncadd.s32 $0xFFFF6000  }
0x1b7: {  	[tilespmem:s4], [sflag:$0x2] =	stream.indirect.gather [hbm4b:s3+s9], $0x80, s15, s9, $0xb8;
	[tilespmem:$0x1F900] =	vst v63  }
0x1b8: {  	s1 =	rddreg [dreg:$0x7]  }
0x1b9: {  	[hbm4b:s1+s2] =	stream.linear.scatter [tilespmem:s11], [sflag:$0x6], $0xA000, $0x38;
	[tilespmem:$0x1F900] =	vst v63  }
0x1ba: {  	_ =	swait.ge [sflag:s10], $0xA000  }
0x1bb: {  	[sflag:s10] =	ssyncset.done $0x0  }
0x1bc: {  	[sflag:s10] =	ssyncadd.s32 $0xFFFF6000  }
0x1bd: {  	_ =	swait.ge [sflag:s12], $0xA000  }
0x1be: {  	[sflag:s12] =	ssyncset.done $0x0  }
0x1bf: {  	[sflag:s12] =	ssyncadd.s32 $0xFFFF6000  }
0x1c0: {  	[tilespmem:s11], [sflag:$0x3] =	stream.indirect.gather [hbm4b:s3+s9], $0x80, s30, s9, $0xb8;
	[tilespmem:$0x1F900] =	vst v63  }
0x1c1: {  	s31 =	rddreg [dreg:$0x8]  }
0x1c2: {  	[hbm4b:s31+s2] =	stream.linear.scatter [tilespmem:s5], [sflag:$0x4], $0xA000, $0x38;
	[tilespmem:$0x1F900] =	vst v63  }
0x1c3: {  	_ =	swait.ge [sflag:s8], $0xA000  }
0x1c4: {  	[sflag:s8] =	ssyncset.done $0x0  }
0x1c5: {  	[sflag:s8] =	ssyncadd.s32 $0xFFFF6000  }
0x1c6: {  	_ =	swait.ge [sflag:s6], $0xA000  }
0x1c7: {  	[sflag:s6] =	ssyncset.done $0x0  }
0x1c8: {  	[sflag:s6] =	ssyncadd.s32 $0xFFFF6000  }
0x1c9: {  	[tilespmem:s5], [sflag:$0x1] =	stream.indirect.gather [hbm4b:s3+s9], $0x80, s29, s9, $0xb8;
	[tilespmem:$0x1F900] =	vst v63  }
0x1ca: {  	s1 =	rddreg [dreg:$0x9]  }
0x1cb: {  	[hbm4b:s1+s2] =	stream.linear.scatter [tilespmem:s4], [sflag:$0x5], $0xA000, $0x38;
	[tilespmem:$0x1F900] =	vst v63  }
0x1cc: {  	_ =	swait.ge [sflag:s13], $0xA000  }
0x1cd: {  	[sflag:s13] =	ssyncset.done $0x0  }
0x1ce: {  	[sflag:s13] =	ssyncadd.s32 $0xFFFF6000  }
0x1cf: {  	_ =	swait.ge [sflag:s7], $0xA000  }
0x1d0: {  	[sflag:s7] =	ssyncset.done $0x0  }
0x1d1: {  	[sflag:s7] =	ssyncadd.s32 $0xFFFF6000  }
0x1d2: {  	[tilespmem:s4], [sflag:$0x2] =	stream.indirect.gather [hbm4b:s3+s9], $0x80, s28, s9, $0xb8;
	[tilespmem:$0x1F900] =	vst v63  }
0x1d3: {  	s15 =	rddreg [dreg:$0xa]  }
0x1d4: {  	[hbm4b:s15+s2] =	stream.linear.scatter [tilespmem:s11], [sflag:$0x6], $0xA000, $0x38;
	[tilespmem:$0x1F900] =	vst v63  }
0x1d5: {  	_ =	swait.ge [sflag:s10], $0xA000  }
0x1d6: {  	[sflag:s10] =	ssyncset.done $0x0  }
0x1d7: {  	[sflag:s10] =	ssyncadd.s32 $0xFFFF6000  }
0x1d8: {  	_ =	swait.ge [sflag:s12], $0xA000  }
0x1d9: {  	[sflag:s12] =	ssyncset.done $0x0  }
0x1da: {  	[sflag:s12] =	ssyncadd.s32 $0xFFFF6000  }
0x1db: {  	[tilespmem:s11], [sflag:$0x3] =	stream.indirect.gather [hbm4b:s3+s9], $0x80, s26, s9, $0xb8;
	[tilespmem:$0x1F900] =	vst v63  }
0x1dc: {  	s28 =	rddreg [dreg:$0xb]  }
0x1dd: {  	[hbm4b:s28+s2] =	stream.linear.scatter [tilespmem:s5], [sflag:$0x4], $0xA000, $0x38;
	[tilespmem:$0x1F900] =	vst v63  }
0x1de: {  	_ =	swait.ge [sflag:s8], $0xA000  }
0x1df: {  	[sflag:s8] =	ssyncset.done $0x0  }
0x1e0: {  	[sflag:s8] =	ssyncadd.s32 $0xFFFF6000  }
0x1e1: {  	_ =	swait.ge [sflag:s6], $0xA000  }
0x1e2: {  	[sflag:s6] =	ssyncset.done $0x0  }
0x1e3: {  	[sflag:s6] =	ssyncadd.s32 $0xFFFF6000  }
0x1e4: {  	[tilespmem:s5], [sflag:$0x1] =	stream.indirect.gather [hbm4b:s3+s9], $0x80, s25, s9, $0xb8;
	[tilespmem:$0x1F900] =	vst v63  }
0x1e5: {  	s29 =	rddreg [dreg:$0xc]  }
0x1e6: {  	[hbm4b:s29+s2] =	stream.linear.scatter [tilespmem:s4], [sflag:$0x5], $0xA000, $0x38;
	[tilespmem:$0x1F900] =	vst v63  }
0x1e7: {  	_ =	swait.ge [sflag:s13], $0xA000  }
0x1e8: {  	[sflag:s13] =	ssyncset.done $0x0  }
0x1e9: {  	[sflag:s13] =	ssyncadd.s32 $0xFFFF6000  }
0x1ea: {  	_ =	swait.ge [sflag:s7], $0xA000  }
0x1eb: {  	[sflag:s7] =	ssyncset.done $0x0  }
0x1ec: {  	[sflag:s7] =	ssyncadd.s32 $0xFFFF6000  }
0x1ed: {  	[tilespmem:s4], [sflag:$0x2] =	stream.indirect.gather [hbm4b:s3+s9], $0x80, s24, s9, $0xb8;
	[tilespmem:$0x1F900] =	vst v63  }
0x1ee: {  	s30 =	rddreg [dreg:$0xd]  }
0x1ef: {  	[hbm4b:s30+s2] =	stream.linear.scatter [tilespmem:s11], [sflag:$0x6], $0xA000, $0x38;
	[tilespmem:$0x1F900] =	vst v63  }
0x1f0: {  	_ =	swait.ge [sflag:s10], $0xA000  }
0x1f1: {  	[sflag:s10] =	ssyncset.done $0x0  }
0x1f2: {  	[sflag:s10] =	ssyncadd.s32 $0xFFFF6000  }
0x1f3: {  	_ =	swait.ge [sflag:s12], $0xA000  }
0x1f4: {  	[sflag:s12] =	ssyncset.done $0x0  }
0x1f5: {  	[sflag:s12] =	ssyncadd.s32 $0xFFFF6000  }
0x1f6: {  	[tilespmem:s11], [sflag:$0x3] =	stream.indirect.gather [hbm4b:s3+s9], $0x80, s23, s9, $0xb8;
	[tilespmem:$0x1F900] =	vst v63  }
0x1f7: {  	s31 =	rddreg [dreg:$0xe]  }
0x1f8: {  	[hbm4b:s31+s2] =	stream.linear.scatter [tilespmem:s5], [sflag:$0x4], $0xA000, $0x38;
	[tilespmem:$0x1F900] =	vst v63  }
0x1f9: {  	_ =	swait.ge [sflag:s8], $0xA000  }
0x1fa: {  	[sflag:s8] =	ssyncset.done $0x0  }
0x1fb: {  	[sflag:s8] =	ssyncadd.s32 $0xFFFF6000  }
0x1fc: {  	_ =	swait.ge [sflag:s6], $0xA000  }
0x1fd: {  	[sflag:s6] =	ssyncset.done $0x0  }
0x1fe: {  	[sflag:s6] =	ssyncadd.s32 $0xFFFF6000  }
0x1ff: {  	[tilespmem:s5], [sflag:$0x1] =	stream.indirect.gather [hbm4b:s3+s9], $0x80, s22, s9, $0xb8;
	[tilespmem:$0x1F900] =	vst v63  }
0x200: {  	s1 =	rddreg [dreg:$0xf]  }
0x201: {  	[hbm4b:s1+s2] =	stream.linear.scatter [tilespmem:s4], [sflag:$0x5], $0xA000, $0x38;
	[tilespmem:$0x1F900] =	vst v63  }
0x202: {  	_ =	swait.ge [sflag:s13], $0xA000  }
0x203: {  	[sflag:s13] =	ssyncset.done $0x0  }
0x204: {  	[sflag:s13] =	ssyncadd.s32 $0xFFFF6000  }
0x205: {  	_ =	swait.ge [sflag:s7], $0xA000  }
0x206: {  	[sflag:s7] =	ssyncset.done $0x0  }
0x207: {  	[sflag:s7] =	ssyncadd.s32 $0xFFFF6000  }
0x208: {  	[tilespmem:s4], [sflag:$0x2] =	stream.indirect.gather [hbm4b:s3+s9], $0x80, s21, s9, $0xb8;
	[tilespmem:$0x1F900] =	vst v63  }
0x209: {  	s15 =	rddreg [dreg:$0x10]  }
0x20a: {  	[hbm4b:s15+s2] =	stream.linear.scatter [tilespmem:s11], [sflag:$0x6], $0xA000, $0x38;
	[tilespmem:$0x1F900] =	vst v63  }
0x20b: {  	_ =	swait.ge [sflag:s10], $0xA000  }
0x20c: {  	[sflag:s10] =	ssyncset.done $0x0  }
0x20d: {  	[sflag:s10] =	ssyncadd.s32 $0xFFFF6000  }
0x20e: {  	_ =	swait.ge [sflag:s12], $0xA000  }
0x20f: {  	[sflag:s12] =	ssyncset.done $0x0  }
0x210: {  	[sflag:s12] =	ssyncadd.s32 $0xFFFF6000  }
0x211: {  	[tilespmem:s11], [sflag:$0x3] =	stream.indirect.gather [hbm4b:s3+s9], $0x80, s20, s9, $0xb8;
	[tilespmem:$0x1F900] =	vst v63  }
0x212: {  	s22 =	rddreg [dreg:$0x11]  }
0x213: {  	[hbm4b:s22+s2] =	stream.linear.scatter [tilespmem:s5], [sflag:$0x4], $0xA000, $0x38;
	[tilespmem:$0x1F900] =	vst v63  }
0x214: {  	_ =	swait.ge [sflag:s8], $0xA000  }
0x215: {  	[sflag:s8] =	ssyncset.done $0x0  }
0x216: {  	[sflag:s8] =	ssyncadd.s32 $0xFFFF6000  }
0x217: {  	_ =	swait.ge [sflag:s6], $0xA000  }
0x218: {  	[sflag:s6] =	ssyncset.done $0x0  }
0x219: {  	[sflag:s6] =	ssyncadd.s32 $0xFFFF6000  }
0x21a: {  	[tilespmem:s5], [sflag:$0x1] =	stream.indirect.gather [hbm4b:s3+s9], $0x80, s19, s9, $0xb8;
	[tilespmem:$0x1F900] =	vst v63  }
0x21b: {  	s23 =	rddreg [dreg:$0x12]  }
0x21c: {  	[hbm4b:s23+s2] =	stream.linear.scatter [tilespmem:s4], [sflag:$0x5], $0xA000, $0x38;
	[tilespmem:$0x1F900] =	vst v63  }
0x21d: {  	_ =	swait.ge [sflag:s13], $0xA000  }
0x21e: {  	[sflag:s13] =	ssyncset.done $0x0  }
0x21f: {  	[sflag:s13] =	ssyncadd.s32 $0xFFFF6000  }
0x220: {  	_ =	swait.ge [sflag:s7], $0xA000  }
0x221: {  	[sflag:s7] =	ssyncset.done $0x0  }
0x222: {  	[sflag:s7] =	ssyncadd.s32 $0xFFFF6000  }
0x223: {  	[tilespmem:s4], [sflag:$0x2] =	stream.indirect.gather [hbm4b:s3+s9], $0x80, s18, s9, $0xb8;
	[tilespmem:$0x1F900] =	vst v63  }
0x224: {  	s24 =	rddreg [dreg:$0x13]  }
0x225: {  	[hbm4b:s24+s2] =	stream.linear.scatter [tilespmem:s11], [sflag:$0x6], $0xA000, $0x38;
	[tilespmem:$0x1F900] =	vst v63  }
0x226: {  	_ =	swait.ge [sflag:s10], $0xA000  }
0x227: {  	[sflag:s10] =	ssyncset.done $0x0  }
0x228: {  	[sflag:s10] =	ssyncadd.s32 $0xFFFF6000  }
0x229: {  	_ =	swait.ge [sflag:s12], $0xA000  }
0x22a: {  	[sflag:s12] =	ssyncset.done $0x0  }
0x22b: {  	[sflag:s12] =	ssyncadd.s32 $0xFFFF6000  }
0x22c: {  	[tilespmem:s11], [sflag:$0x3] =	stream.indirect.gather [hbm4b:s3+s9], $0x80, s17, s9, $0xb8;
	[tilespmem:$0x1F900] =	vst v63  }
0x22d: {  	s25 =	rddreg [dreg:$0x14]  }
0x22e: {  	[hbm4b:s25+s2] =	stream.linear.scatter [tilespmem:s5], [sflag:$0x4], $0xA000, $0x38;
	[tilespmem:$0x1F900] =	vst v63  }
0x22f: {  	_ =	swait.ge [sflag:s8], $0xA000  }
0x230: {  	[sflag:s8] =	ssyncset.done $0x0  }
0x231: {  	[sflag:s8] =	ssyncadd.s32 $0xFFFF6000  }
0x232: {  	_ =	swait.ge [sflag:s6], $0xA000  }
0x233: {  	[sflag:s6] =	ssyncset.done $0x0  }
0x234: {  	[sflag:s6] =	ssyncadd.s32 $0xFFFF6000  }
0x235: {  	[tilespmem:s5], [sflag:$0x1] =	stream.indirect.gather [hbm4b:s3+s9], $0x80, s16, s9, $0xb8;
	[tilespmem:$0x1F900] =	vst v63  }
0x236: {  	s26 =	rddreg [dreg:$0x15]  }
0x237: {  	[hbm4b:s26+s2] =	stream.linear.scatter [tilespmem:s4], [sflag:$0x5], $0xA000, $0x38;
	[tilespmem:$0x1F900] =	vst v63  }
0x238: {  	_ =	swait.ge [sflag:s13], $0xA000  }
0x239: {  	[sflag:s13] =	ssyncset.done $0x0  }
0x23a: {  	[sflag:s13] =	ssyncadd.s32 $0xFFFF6000  }
0x23b: {  	_ =	swait.ge [sflag:s7], $0xA000  }
0x23c: {  	[sflag:s7] =	ssyncset.done $0x0  }
0x23d: {  	s29 =	simm.s32 $0x17C0;
	[sflag:s7] =	ssyncadd.s32 $0xFFFF6000  }
0x23e: {  	[tilespmem:s4], [sflag:$0x2] =	stream.indirect.gather [hbm4b:s3+s9], $0x80, s29, s9, $0xb8;
	[tilespmem:$0x1F900] =	vst v63  }
0x23f: {  	s28 =	rddreg [dreg:$0x16]  }
0x240: {  	[hbm4b:s28+s2] =	stream.linear.scatter [tilespmem:s11], [sflag:$0x6], $0xA000, $0x38;
	[tilespmem:$0x1F900] =	vst v63  }
0x241: {  	_ =	swait.ge [sflag:s10], $0xA000  }
0x242: {  	[sflag:s10] =	ssyncset.done $0x0  }
0x243: {  	[sflag:s10] =	ssyncadd.s32 $0xFFFF6000  }
0x244: {  	_ =	swait.ge [sflag:s12], $0xA000  }
0x245: {  	[sflag:s12] =	ssyncset.done $0x0  }
0x246: {  	s30 =	rddreg [dreg:$0x17];
	[sflag:s12] =	ssyncadd.s32 $0xFFFF6000  }
0x247: {  	[hbm4b:s30+s2] =	stream.linear.scatter [tilespmem:s5], [sflag:$0x4], $0xA000, $0x38;
	[tilespmem:$0x1F900] =	vst v63  }
0x248: {  	_ =	swait.ge [sflag:s8], $0xA000  }
0x249: {  	[sflag:s8] =	ssyncset.done $0x0  }
0x24a: {  	[sflag:s8] =	ssyncadd.s32 $0xFFFF6000  }
0x24b: {  	_ =	swait.ge [sflag:s6], $0xA000  }
0x24c: {  	[sflag:s6] =	ssyncset.done $0x0  }
0x24d: {  	s31 =	rddreg [dreg:$0x18];
	[sflag:s6] =	ssyncadd.s32 $0xFFFF6000  }
0x24e: {  	[hbm4b:s31+s2] =	stream.linear.scatter [tilespmem:s4], [sflag:$0x5], $0xA000, $0x38;
	[tilespmem:$0x1F900] =	vst v63  }
0x24f: {  	_ =	swait.ge [sflag:s7], $0xA000  }
0x250: {  	[sflag:s7] =	ssyncset.done $0x0  }
0x251: {  	[sflag:s7] =	ssyncadd.s32 $0xFFFF6000  }
0x252: {  	_ =	sfence.sel $0x180000  }
0x253: {  	[bflag:$0x0] =	sbarrier.arrive $0xFFFF  }
0x254: {  	_ =	strace $0x90000047  }
0x255: {  	[bflag:$0x2] =	sbarrier.arrive $0xFFFF  }
0x256: {  	p0 =	sne.s32 s14, $0x0;
	s0 =	rddreg [dreg:$0x3]  }
0x257: {  	s0 =	sadd.s32 @!p0 $0x100000, s0  }
0x258: {  	[sflag:s0] =	ssyncadd.tile.s32 @!p0 $0x1;
	_ =	shalt  }
.LBB2_1:
0x259: {  	s15 =	simm.s32 $0x500  }
.Ltmp3:
0x25a: {  	s30 =	simm.s32 $0x640;
	s29 =	simm.s32 $0x780;
	(pc) =	sbr.rel .LBB2_6-.Ltmp3, $4  }
0x25b: {  	s28 =	simm.s32 $0x8C0;
	s26 =	simm.s32 $0xA00;
	s25 =	simm.s32 $0xB40  }
0x25c: {  	s24 =	simm.s32 $0xC80;
	s23 =	simm.s32 $0xDC0;
	s22 =	simm.s32 $0xF00  }
0x25d: {  	s21 =	simm.s32 $0x1040;
	s20 =	simm.s32 $0x1180;
	s19 =	simm.s32 $0x12C0  }
0x25e: {  	s18 =	simm.s32 $0x1400;
	s17 =	simm.s32 $0x1540;
	s16 =	simm.s32 $0x1680  }
.LBB2_3:
0x25f: {  	s15 =	simm.s32 $0x500;
	s30 =	simm.s32 $0x640  }
.Ltmp4:
0x260: {  	s29 =	simm.s32 $0x780;
	s28 =	simm.s32 $0x8C0;
	(pc) =	sbr.rel .LBB2_6-.Ltmp4, $4  }
0x261: {  	s26 =	simm.s32 $0xA00;
	s25 =	simm.s32 $0xB40;
	s24 =	simm.s32 $0xC80  }
0x262: {  	s23 =	simm.s32 $0xDC0;
	s22 =	simm.s32 $0xF00;
	s21 =	simm.s32 $0x1040  }
0x263: {  	s20 =	simm.s32 $0x1180;
	s19 =	simm.s32 $0x12C0;
	s18 =	simm.s32 $0x1400  }
0x264: {  	s17 =	simm.s32 $0x1540;
	s16 =	simm.s32 $0x1680;
	s14 =	stileid.u32  }
.Lfunc_end2:
_tile_overlayer_lowered:
.L_overlay_start_2:
0x265: {  	(tag) =	ssettag $0x2  }
0x266: {  	s0 =	rddreg [dreg:$0x0];
	s2 =	stileid.u32  }
0x267: {  	s1 =	rddreg [dreg:$0x1];
	p0 =	sne.s32 s2, $0x0  }
0x268: {  	s3 =	rddreg [dreg:$0x2];
	[bflag:$0x3] =	sbarrier.arrive $0xFFFF;
	s2 =	simm.s32 @!p0 $0x1C07  }
0x269: {  	[timem:s3], [sflag:s2] =	dma.local @!p0 [hbm:s0], s1  }
0x26a: {  	s0 =	simm.s32 @!p0 $0x7  }
0x26b: {  	_ =	swait.ge @!p0 [sflag:s0], s1  }
0x26c: {  	s1 =	ssub.s32 @!p0 $0x0, s1;
	[sflag:s0] =	ssyncset.done @!p0 $0x0  }
0x26d: {  	[sflag:s0] =	ssyncadd.s32 @!p0 s1  }
0x26e: {  	[bflag:$0x3] =	sbarrier.arrive $0xFFFF  }
0x26f: {  	_ =	shalt  }

</sc_bundles>
